<compile_context>
chip_gen: v7x
topology: tpu7x:2x2x1
jax: 0.10.2.dev20260603
libtpu: 0.0.44.dev20260713+nightly
codegen_flags: <defaults>
</compile_context>

<pallas_src>
import functools

import jax
import jax.numpy as jnp
from jax import lax
from jax.experimental import pallas as pl
from jax.experimental.pallas import tpu as pltpu
from jax.experimental.pallas import tpu_sc as plsc

N = 10000
E = 320000
DH = 128
DOUT = 64
G = 16

NC = 2
NS = 16
NW = NC * NS
EPW = E // NW
C = 80
NCHUNK = EPW // C
SUP = 25
NSUP = NCHUNK // SUP
NP = 10240
ROWS = NP // NS

RB = 2000
NBLK = N // RB



@functools.cache
def _sc_kernels():
    mesh = plsc.VectorSubcoreMesh(
        core_axis_name="c", subcore_axis_name="s", num_cores=NC, num_subcores=NS
    )

    @functools.partial(
        pl.kernel,
        out_type=jax.ShapeDtypeStruct((NC, NP, DH), jnp.float32),
        mesh=mesh,
        scratch_types=[
            pltpu.VMEM((NCHUNK, C), jnp.int32),
            pltpu.VMEM((C, DH), jnp.float32),
            pltpu.VMEM_SHARED((NP, DH), jnp.float32),
        ],
    )
    def _sc_deg(dst_hbm, ones_hbm, zeros_hbm, out_hbm, idx_v, ones_v, deg_s):
        c = lax.axis_index("c")
        s = lax.axis_index("s")
        wid = s * NC + c
        pltpu.sync_copy(ones_hbm, ones_v)
        pltpu.sync_copy(dst_hbm.at[wid], idx_v)
        pltpu.sync_copy(zeros_hbm.at[pl.ds(s * ROWS, ROWS)],
                        deg_s.at[pl.ds(s * ROWS, ROWS)])
        plsc.subcore_barrier()

        @pl.loop(0, NCHUNK)
        def _(j):
            pltpu.sync_copy(ones_v, deg_s.at[idx_v.at[j]], add=True)

        plsc.subcore_barrier()
        pltpu.sync_copy(deg_s.at[pl.ds(s * ROWS, ROWS)],
                        out_hbm.at[c, pl.ds(s * ROWS, ROWS)])

    @functools.partial(
        pl.kernel,
        out_type=jax.ShapeDtypeStruct((NC, NP, DH), jnp.float32),
        mesh=mesh,
        scratch_types=[
            pltpu.VMEM((SUP, C), jnp.int32),
            pltpu.VMEM((SUP, C), jnp.int32),
            pltpu.VMEM((C, DH), jnp.float32),
            pltpu.VMEM((C, DH), jnp.float32),
            pltpu.VMEM_SHARED((NP, DH), jnp.float32),
            pltpu.SemaphoreType.DMA,
            pltpu.SemaphoreType.DMA,
        ],
    )
    def _sc_agg(u_hbm, src_hbm, dst_hbm, zeros_hbm, out_hbm,
                src_v, dst_v, buf0, buf1, agg_s, sem0, sem1):
        c = lax.axis_index("c")
        s = lax.axis_index("s")
        wid = s * NC + c
        pltpu.sync_copy(zeros_hbm.at[pl.ds(s * ROWS, ROWS)],
                        agg_s.at[pl.ds(s * ROWS, ROWS)])
        plsc.subcore_barrier()

        @pl.loop(0, NSUP)
        def _(g):
            pltpu.sync_copy(src_hbm.at[wid, g], src_v)
            pltpu.sync_copy(dst_hbm.at[wid, g], dst_v)
            pltpu.async_copy(u_hbm.at[src_v.at[0]], buf0, sem0)

            @pl.loop(0, (SUP - 1) // 2)
            def _(jh):
                j = 2 * jh
                pltpu.async_copy(u_hbm.at[src_v.at[j + 1]], buf1, sem1)
                pltpu.make_async_copy(u_hbm.at[src_v.at[j]], buf0, sem0).wait()
                pltpu.sync_copy(buf0, agg_s.at[dst_v.at[j]], add=True)
                pltpu.async_copy(u_hbm.at[src_v.at[j + 2]], buf0, sem0)
                pltpu.make_async_copy(u_hbm.at[src_v.at[j + 1]], buf1, sem1).wait()
                pltpu.sync_copy(buf1, agg_s.at[dst_v.at[j + 1]], add=True)

            pltpu.make_async_copy(u_hbm.at[src_v.at[SUP - 1]], buf0, sem0).wait()
            pltpu.sync_copy(buf0, agg_s.at[dst_v.at[SUP - 1]], add=True)

        plsc.subcore_barrier()
        pltpu.sync_copy(agg_s.at[pl.ds(s * ROWS, ROWS)],
                        out_hbm.at[c, pl.ds(s * ROWS, ROWS)])

    return _sc_deg, _sc_agg



def _tc_enc_body(x_ref, w0_ref, b0_ref, w1_ref, b1_ref, wc_ref,
                 deg0_ref, deg1_ref, u_ref, dinv_ref):
    h = jnp.dot(x_ref[...], w0_ref[...], preferred_element_type=jnp.float32)
    h = jnp.maximum(h + b0_ref[...], 0.0)
    h = jnp.dot(h, w1_ref[...], preferred_element_type=jnp.float32) + b1_ref[...]
    dinv = lax.rsqrt(deg0_ref[...][:, :1] + deg1_ref[...][:, :1] + 1.0)
    t = jnp.dot(h, wc_ref[...], preferred_element_type=jnp.float32)
    u_ref[...] = t * dinv
    dinv_ref[...] = jnp.broadcast_to(dinv, (RB, 16))


_tc_enc = pl.pallas_call(
    _tc_enc_body,
    grid=(NBLK,),
    in_specs=[
        pl.BlockSpec((RB, DH), lambda i: (i, 0)),
        pl.BlockSpec((DH, DH), lambda i: (0, 0)),
        pl.BlockSpec((1, DH), lambda i: (0, 0)),
        pl.BlockSpec((DH, DH), lambda i: (0, 0)),
        pl.BlockSpec((1, DH), lambda i: (0, 0)),
        pl.BlockSpec((DH, DH), lambda i: (0, 0)),
        pl.BlockSpec((RB, DH), lambda i: (i, 0)),
        pl.BlockSpec((RB, DH), lambda i: (i, 0)),
    ],
    out_specs=[
        pl.BlockSpec((RB, DH), lambda i: (i, 0)),
        pl.BlockSpec((RB, 16), lambda i: (i, 0)),
    ],
    out_shape=[
        jax.ShapeDtypeStruct((N, DH), jnp.float32),
        jax.ShapeDtypeStruct((N, 16), jnp.float32),
    ],
)


def _tc_mid_body(a0_ref, a1_ref, u_ref, dinv_ref, b_ref, w_ref, uo_ref):
    dinv = dinv_ref[...][:, :1]
    h = (a0_ref[...] + a1_ref[...] + u_ref[...]) * dinv + b_ref[...]
    h = jnp.maximum(h, 0.0)
    t = jnp.dot(h, w_ref[...], preferred_element_type=jnp.float32)
    uo_ref[...] = t * dinv


_tc_mid = pl.pallas_call(
    _tc_mid_body,
    grid=(NBLK,),
    in_specs=[
        pl.BlockSpec((RB, DH), lambda i: (i, 0)),
        pl.BlockSpec((RB, DH), lambda i: (i, 0)),
        pl.BlockSpec((RB, DH), lambda i: (i, 0)),
        pl.BlockSpec((RB, 16), lambda i: (i, 0)),
        pl.BlockSpec((1, DH), lambda i: (0, 0)),
        pl.BlockSpec((DH, DH), lambda i: (0, 0)),
    ],
    out_specs=pl.BlockSpec((RB, DH), lambda i: (i, 0)),
    out_shape=jax.ShapeDtypeStruct((N, DH), jnp.float32),
)


def _tc_fin_body(a0_ref, a1_ref, u_ref, dinv_ref, b_ref, batch_ref,
                 dw0_ref, db0_ref, dw1_ref, db1_ref, out_ref, pool_ref):
    i = pl.program_id(0)

    @pl.when(i == 0)
    def _():
        pool_ref[...] = jnp.zeros_like(pool_ref)

    dinv = dinv_ref[...][:, :1]
    h = (a0_ref[...] + a1_ref[...] + u_ref[...]) * dinv + b_ref[...]
    h = jnp.maximum(h, 0.0)
    row = batch_ref[0, 0, :]
    seg = (row[None, :] == lax.broadcasted_iota(jnp.int32, (G, RB), 0))
    seg = seg.astype(jnp.float32)
    pool_ref[...] += jnp.dot(seg, h, preferred_element_type=jnp.float32)

    @pl.when(i == NBLK - 1)
    def _():
        z = jnp.dot(pool_ref[...], dw0_ref[...],
                    preferred_element_type=jnp.float32) + db0_ref[...]
        z = jnp.maximum(z, 0.0)
        out_ref[...] = jnp.dot(z, dw1_ref[...],
                               preferred_element_type=jnp.float32) + db1_ref[...]


_tc_fin = pl.pallas_call(
    _tc_fin_body,
    grid=(NBLK,),
    in_specs=[
        pl.BlockSpec((RB, DH), lambda i: (i, 0)),
        pl.BlockSpec((RB, DH), lambda i: (i, 0)),
        pl.BlockSpec((RB, DH), lambda i: (i, 0)),
        pl.BlockSpec((RB, 16), lambda i: (i, 0)),
        pl.BlockSpec((1, DH), lambda i: (0, 0)),
        pl.BlockSpec((1, 1, RB), lambda i: (i, 0, 0)),
        pl.BlockSpec((DH, DH), lambda i: (0, 0)),
        pl.BlockSpec((1, DH), lambda i: (0, 0)),
        pl.BlockSpec((DH, DOUT), lambda i: (0, 0)),
        pl.BlockSpec((1, DOUT), lambda i: (0, 0)),
    ],
    out_specs=pl.BlockSpec((G, DOUT), lambda i: (0, 0)),
    out_shape=jax.ShapeDtypeStruct((G, DOUT), jnp.float32),
    scratch_shapes=[pltpu.VMEM((G, DH), jnp.float32)],
)



def kernel(x, edge_index, batch, enc_W, enc_b, conv_W, conv_b,
           dec_W0, dec_b0, dec_W1, dec_b1):
    src = edge_index[0].reshape(NW, NSUP, SUP, C)
    dst = edge_index[1].reshape(NW, NSUP, SUP, C)
    dst_deg = edge_index[1].reshape(NW, NCHUNK, C)
    zeros128 = jnp.zeros((NP, DH), jnp.float32)
    ones128 = jnp.ones((C, DH), jnp.float32)
    batch3 = batch.reshape(NBLK, 1, RB)

    _sc_deg, _sc_agg = _sc_kernels()
    deg = _sc_deg(dst_deg, ones128, zeros128)
    u, dinv = _tc_enc(x, enc_W[0], enc_b[0:1], enc_W[1], enc_b[1:2],
                      conv_W[0], deg[0], deg[1])

    for i in range(3):
        agg = _sc_agg(u, src, dst, zeros128)
        if i < 2:
            u = _tc_mid(agg[0], agg[1], u, dinv, conv_b[i:i + 1],
                        conv_W[i + 1])
        else:
            out = _tc_fin(agg[0], agg[1], u, dinv, conv_b[i:i + 1], batch3,
                          dec_W0, dec_b0[None], dec_W1, dec_b1[None])
    return out

# --- scband reference (transcript-rebuilt; emitter-appended) ---
"""Pipeline reference for scband-gcn-22273700397204 (READ-ONLY COPY).

The authoritative reference and input builder live on the scoring server;
editing this copy changes nothing except your own understanding.
"""

import jax, jax.numpy as jnp
import numpy as np

N = 10000
E = 320000
D_IN = 128
D_H = 128
D_OUT = 64
G = 16
NUM_CONV = 3


def setup_inputs(seed: int = 0) -> dict:
    key = jax.random.key(seed)
    ks = jax.random.split(key, 12)
    x = jax.random.normal(ks[0], (N, D_IN), dtype=jnp.float32)
    edge_index = jax.random.randint(ks[1], (2, E), 0, N, dtype=jnp.int32)
    batch = jnp.sort(jax.random.randint(ks[2], (N,), 0, G, dtype=jnp.int32))
    s = 0.05
    enc_W = jax.random.normal(ks[3], (2, D_IN, D_H), dtype=jnp.float32) * s
    enc_b = jnp.zeros((2, D_H), dtype=jnp.float32)
    conv_W = jax.random.normal(ks[4], (NUM_CONV, D_H, D_H), dtype=jnp.float32) * s
    conv_b = jnp.zeros((NUM_CONV, D_H), dtype=jnp.float32)
    dec_W0 = jax.random.normal(ks[5], (D_H, D_H), dtype=jnp.float32) * s
    dec_b0 = jnp.zeros((D_H,), dtype=jnp.float32)
    dec_W1 = jax.random.normal(ks[6], (D_H, D_OUT), dtype=jnp.float32) * s
    dec_b1 = jnp.zeros((D_OUT,), dtype=jnp.float32)
    return {"x": x, "edge_index": edge_index, "batch": batch,
            "enc_W": enc_W, "enc_b": enc_b, "conv_W": conv_W, "conv_b": conv_b,
            "dec_W0": dec_W0, "dec_b0": dec_b0, "dec_W1": dec_W1, "dec_b1": dec_b1}


def _mlp(h, Ws, bs):
    L = Ws.shape[0]
    for i in range(L):
        h = h @ Ws[i] + bs[i]
        if i < L - 1:
            h = jax.nn.relu(h)
    return h


def _gcn_forward(x, edge_index, batch, enc_W, enc_b, conv_W, conv_b, dec_W0, dec_b0, dec_W1, dec_b1):
    src = edge_index[0]
    dst = edge_index[1]
    # encoder MLP
    h = _mlp(x, enc_W, enc_b)
    # symmetric GCN normalization with self-loops (Kipf & Welling)
    deg = jnp.zeros((N,), jnp.float32).at[dst].add(1.0) + 1.0
    dinv = jax.lax.rsqrt(deg)
    coef = dinv[src] * dinv[dst]
    for i in range(NUM_CONV):
        t = h @ conv_W[i]
        msg = t[src] * coef[:, None]
        agg = jnp.zeros((N, D_H), jnp.float32).at[dst].add(msg)
        agg = agg + t * (dinv * dinv)[:, None]  # self-loop term
        h = jax.nn.relu(agg + conv_b[i])
    # global_add_pool over graph ids
    pooled = jax.ops.segment_sum(h, batch, num_segments=G)
    # decoder MLP
    z = jax.nn.relu(pooled @ dec_W0 + dec_b0)
    return z @ dec_W1 + dec_b1


def reference(x, edge_index, batch, enc_W, enc_b, conv_W, conv_b, dec_W0, dec_b0, dec_W1, dec_b1):
    return _gcn_forward(x, edge_index, batch, enc_W, enc_b, conv_W, conv_b, dec_W0, dec_b0, dec_W1, dec_b1)

if __name__ == "__main__":
    import jax
    _d = setup_inputs()
    print(jax.jit(kernel)(*tuple(_d.values())))

</pallas_src>

<mosaic_0001>
#map = affine_map<(d0, d1) -> (0, 0)>
#map1 = affine_map<(d0, d1) -> (0, 0, 0, 0)>
#map2 = affine_map<(d0, d1) -> (0, 0, 0)>
module attributes {stable_mosaic.version = 14 : i64} {
  func.func @_sc_agg(%arg0: i32, %arg1: i32, %arg2: memref<10000x128xf32, #tpu.memory_space<hbm>>, %arg3: memref<32x5x25x80xi32, #tpu.memory_space<hbm>>, %arg4: memref<32x5x25x80xi32, #tpu.memory_space<hbm>>, %arg5: memref<10240x128xf32, #tpu.memory_space<hbm>>, %arg6: memref<2x10240x128xf32, #tpu.memory_space<hbm>>, %arg7: memref<25x80xi32, #tpu.memory_space<vmem>>, %arg8: memref<25x80xi32, #tpu.memory_space<vmem>>, %arg9: memref<80x128xf32, #tpu.memory_space<vmem>>, %arg10: memref<80x128xf32, #tpu.memory_space<vmem>>, %arg11: memref<10240x128xf32, #tpu.memory_space<vmem_shared>>, %arg12: memref<!tpu.dma_semaphore, #tpu.memory_space<semaphore_mem>>, %arg13: memref<!tpu.dma_semaphore, #tpu.memory_space<semaphore_mem>>) attributes {dimension_semantics = [#tpu.dimension_semantics<core_parallel>, #tpu.dimension_semantics<subcore_parallel>], iteration_bounds = array<i64: 2, 16>, scalar_prefetch = 0 : i64, scratch_operands = 7 : i64, tpu.core_type = #tpu.core_type<sc_vector_subcore>, window_params = [{transform_indices = #map}, {transform_indices = #map1}, {transform_indices = #map1}, {transform_indices = #map}, {transform_indices = #map2}]} {
    %mul3A = arith.constant 2 : i32
    %mul3A_0 = arith.muli %arg1, %mul3A : i32
    %add3A = arith.addi %mul3A_0, %arg0 : i32
    %mul3A_1 = arith.constant 640 : i32
    %mul3A_2 = arith.muli %arg1, %mul3A_1 : i32
    %mul3A_3 = arith.constant 640 : i32
    %mul3A_4 = arith.muli %arg1, %mul3A_3 : i32
    "tpu.region"() ({
      %run_scoped3A = tpu.sem_alloc : memref<!tpu.dma_semaphore, #tpu.memory_space<semaphore_mem>>
      %dma_start3A = arith.constant 0 : i32
      %dma_start3A_14 = tpu.memref_slice %arg11[%mul3A_4, %dma_start3A] : memref<10240x128xf32, #tpu.memory_space<vmem_shared>> -> memref<640x128xf32, #tpu.memory_space<vmem_shared>>
      %dma_start3A_15 = arith.constant 0 : i32
      %dma_start3A_16 = tpu.memref_slice %arg5[%mul3A_2, %dma_start3A_15] : memref<10240x128xf32, #tpu.memory_space<hbm>> -> memref<640x128xf32, #tpu.memory_space<hbm>>
      tpu.enqueue_dma source(%dma_start3A_16 : memref<640x128xf32, #tpu.memory_space<hbm>>) target(%dma_start3A_14 : memref<640x128xf32, #tpu.memory_space<vmem_shared>>) target_semaphore(%run_scoped3A : memref<!tpu.dma_semaphore, #tpu.memory_space<semaphore_mem>>)
      %dma_wait3A = arith.constant 0 : i32
      %dma_wait3A_17 = tpu.memref_slice %arg11[%mul3A_4, %dma_wait3A] : memref<10240x128xf32, #tpu.memory_space<vmem_shared>> -> memref<640x128xf32, #tpu.memory_space<vmem_shared>>
      %dma_wait3A_18 = arith.constant 0 : i32
      %dma_wait3A_19 = tpu.memref_slice %arg5[%mul3A_2, %dma_wait3A_18] : memref<10240x128xf32, #tpu.memory_space<hbm>> -> memref<640x128xf32, #tpu.memory_space<hbm>>
      tpu.wait_dma2 semaphore(%run_scoped3A : memref<!tpu.dma_semaphore, #tpu.memory_space<semaphore_mem>>) src(%dma_wait3A_19 : memref<640x128xf32, #tpu.memory_space<hbm>>) dst(%dma_wait3A_17 : memref<640x128xf32, #tpu.memory_space<vmem_shared>>)
      tpu.yield
    }) : () -> ()
    %barrier3A = arith.constant 0 : index
    tpu.barrier barrier_id(%barrier3A)
    %scan3A = arith.constant 0 : i32
    %scan3A_5 = arith.constant 5 : i32
    %scan3A_6 = arith.addi %scan3A, %scan3A_5 : i32
    %scan3A_7 = arith.constant 1 : i32
    scf.for %scan3A_14 = %scan3A to %scan3A_6 step %scan3A_7  : i32 {
      %mul3A_15 = arith.constant 1 : i32
      %mul3A_16 = arith.muli %scan3A_14, %mul3A_15 : i32
      %add3A_17 = arith.constant 0 : i32
      %add3A_18 = arith.addi %add3A_17, %mul3A_16 : i32
      "tpu.region"() ({
        %run_scoped3A_36 = tpu.sem_alloc : memref<!tpu.dma_semaphore, #tpu.memory_space<semaphore_mem>>
        %dma_start3A_37 = arith.constant 0 : i32
        %dma_start3A_38 = arith.constant 0 : i32
        %dma_start3A_39 = tpu.memref_slice %arg3[%add3A, %add3A_18, %dma_start3A_37, %dma_start3A_38] : memref<32x5x25x80xi32, #tpu.memory_space<hbm>> -> memref<1x1x25x80xi32, #tpu.memory_space<hbm>>
        %dma_start3A_40 = tpu.memref_squeeze %dma_start3A_39 : memref<1x1x25x80xi32, #tpu.memory_space<hbm>> -> memref<25x80xi32, #tpu.memory_space<hbm>>
        %dma_start3A_41 = arith.constant 0 : i32
        %dma_start3A_42 = arith.constant 0 : i32
        %dma_start3A_43 = tpu.memref_slice %arg3[%add3A, %add3A_18, %dma_start3A_41, %dma_start3A_42] : memref<32x5x25x80xi32, #tpu.memory_space<hbm>> -> memref<1x1x25x80xi32, #tpu.memory_space<hbm>>
        %dma_start3A_44 = tpu.memref_squeeze %dma_start3A_43 : memref<1x1x25x80xi32, #tpu.memory_space<hbm>> -> memref<25x80xi32, #tpu.memory_space<hbm>>
        tpu.enqueue_dma source(%dma_start3A_44 : memref<25x80xi32, #tpu.memory_space<hbm>>) target(%arg7 : memref<25x80xi32, #tpu.memory_space<vmem>>) target_semaphore(%run_scoped3A_36 : memref<!tpu.dma_semaphore, #tpu.memory_space<semaphore_mem>>)
        %dma_wait3A_45 = arith.constant 0 : i32
        %dma_wait3A_46 = arith.constant 0 : i32
        %dma_wait3A_47 = tpu.memref_slice %arg3[%add3A, %add3A_18, %dma_wait3A_45, %dma_wait3A_46] : memref<32x5x25x80xi32, #tpu.memory_space<hbm>> -> memref<1x1x25x80xi32, #tpu.memory_space<hbm>>
        %dma_wait3A_48 = tpu.memref_squeeze %dma_wait3A_47 : memref<1x1x25x80xi32, #tpu.memory_space<hbm>> -> memref<25x80xi32, #tpu.memory_space<hbm>>
        %dma_wait3A_49 = arith.constant 0 : i32
        %dma_wait3A_50 = arith.constant 0 : i32
        %dma_wait3A_51 = tpu.memref_slice %arg3[%add3A, %add3A_18, %dma_wait3A_49, %dma_wait3A_50] : memref<32x5x25x80xi32, #tpu.memory_space<hbm>> -> memref<1x1x25x80xi32, #tpu.memory_space<hbm>>
        %dma_wait3A_52 = tpu.memref_squeeze %dma_wait3A_51 : memref<1x1x25x80xi32, #tpu.memory_space<hbm>> -> memref<25x80xi32, #tpu.memory_space<hbm>>
        tpu.wait_dma2 semaphore(%run_scoped3A_36 : memref<!tpu.dma_semaphore, #tpu.memory_space<semaphore_mem>>) src(%dma_wait3A_52 : memref<25x80xi32, #tpu.memory_space<hbm>>) dst(%arg7 : memref<25x80xi32, #tpu.memory_space<vmem>>)
        tpu.yield
      }) : () -> ()
      "tpu.region"() ({
        %run_scoped3A_36 = tpu.sem_alloc : memref<!tpu.dma_semaphore, #tpu.memory_space<semaphore_mem>>
        %dma_start3A_37 = arith.constant 0 : i32
        %dma_start3A_38 = arith.constant 0 : i32
        %dma_start3A_39 = tpu.memref_slice %arg4[%add3A, %add3A_18, %dma_start3A_37, %dma_start3A_38] : memref<32x5x25x80xi32, #tpu.memory_space<hbm>> -> memref<1x1x25x80xi32, #tpu.memory_space<hbm>>
        %dma_start3A_40 = tpu.memref_squeeze %dma_start3A_39 : memref<1x1x25x80xi32, #tpu.memory_space<hbm>> -> memref<25x80xi32, #tpu.memory_space<hbm>>
        %dma_start3A_41 = arith.constant 0 : i32
        %dma_start3A_42 = arith.constant 0 : i32
        %dma_start3A_43 = tpu.memref_slice %arg4[%add3A, %add3A_18, %dma_start3A_41, %dma_start3A_42] : memref<32x5x25x80xi32, #tpu.memory_space<hbm>> -> memref<1x1x25x80xi32, #tpu.memory_space<hbm>>
        %dma_start3A_44 = tpu.memref_squeeze %dma_start3A_43 : memref<1x1x25x80xi32, #tpu.memory_space<hbm>> -> memref<25x80xi32, #tpu.memory_space<hbm>>
        tpu.enqueue_dma source(%dma_start3A_44 : memref<25x80xi32, #tpu.memory_space<hbm>>) target(%arg8 : memref<25x80xi32, #tpu.memory_space<vmem>>) target_semaphore(%run_scoped3A_36 : memref<!tpu.dma_semaphore, #tpu.memory_space<semaphore_mem>>)
        %dma_wait3A_45 = arith.constant 0 : i32
        %dma_wait3A_46 = arith.constant 0 : i32
        %dma_wait3A_47 = tpu.memref_slice %arg4[%add3A, %add3A_18, %dma_wait3A_45, %dma_wait3A_46] : memref<32x5x25x80xi32, #tpu.memory_space<hbm>> -> memref<1x1x25x80xi32, #tpu.memory_space<hbm>>
        %dma_wait3A_48 = tpu.memref_squeeze %dma_wait3A_47 : memref<1x1x25x80xi32, #tpu.memory_space<hbm>> -> memref<25x80xi32, #tpu.memory_space<hbm>>
        %dma_wait3A_49 = arith.constant 0 : i32
        %dma_wait3A_50 = arith.constant 0 : i32
        %dma_wait3A_51 = tpu.memref_slice %arg4[%add3A, %add3A_18, %dma_wait3A_49, %dma_wait3A_50] : memref<32x5x25x80xi32, #tpu.memory_space<hbm>> -> memref<1x1x25x80xi32, #tpu.memory_space<hbm>>
        %dma_wait3A_52 = tpu.memref_squeeze %dma_wait3A_51 : memref<1x1x25x80xi32, #tpu.memory_space<hbm>> -> memref<25x80xi32, #tpu.memory_space<hbm>>
        tpu.wait_dma2 semaphore(%run_scoped3A_36 : memref<!tpu.dma_semaphore, #tpu.memory_space<semaphore_mem>>) src(%dma_wait3A_52 : memref<25x80xi32, #tpu.memory_space<hbm>>) dst(%arg8 : memref<25x80xi32, #tpu.memory_space<vmem>>)
        tpu.yield
      }) : () -> ()
      %dma_start3A = arith.constant 0 : i32
      %dma_start3A_19 = arith.constant 0 : i32
      %dma_start3A_20 = tpu.memref_slice %arg7[%dma_start3A, %dma_start3A_19] : memref<25x80xi32, #tpu.memory_space<vmem>> -> memref<1x80xi32, #tpu.memory_space<vmem>>
      %dma_start3A_21 = tpu.memref_squeeze %dma_start3A_20 : memref<1x80xi32, #tpu.memory_space<vmem>> -> memref<80xi32, #tpu.memory_space<vmem>>
      %dma_start3A_22 = arith.constant 0 : i32
      %dma_start3A_23 = arith.constant 0 : i32
      %dma_start3A_24 = tpu.memref_slice %arg2[%dma_start3A_22, %dma_start3A_23] : memref<10000x128xf32, #tpu.memory_space<hbm>> -> memref<10000x128xf32, #tpu.memory_space<hbm>>
      tpu.enqueue_indirect_dma source(%dma_start3A_24 : memref<10000x128xf32, #tpu.memory_space<hbm>>) target(%arg9 : memref<80x128xf32, #tpu.memory_space<vmem>>) offsets(%dma_start3A_21 : memref<80xi32, #tpu.memory_space<vmem>>) semaphore(%arg12 : memref<!tpu.dma_semaphore, #tpu.memory_space<semaphore_mem>>)
      %scan3A_25 = arith.constant 0 : i32
      %scan3A_26 = arith.constant 12 : i32
      %scan3A_27 = arith.addi %scan3A_25, %scan3A_26 : i32
      %scan3A_28 = arith.constant 1 : i32
      scf.for %scan3A_36 = %scan3A_25 to %scan3A_27 step %scan3A_28  : i32 {
        %mul3A_37 = arith.constant 1 : i32
        %mul3A_38 = arith.muli %scan3A_36, %mul3A_37 : i32
        %add3A_39 = arith.constant 0 : i32
        %add3A_40 = arith.addi %add3A_39, %mul3A_38 : i32
        %mul3A_41 = arith.constant 2 : i32
        %mul3A_42 = arith.muli %mul3A_41, %add3A_40 : i32
        %add3A_43 = arith.constant 1 : i32
        %add3A_44 = arith.addi %mul3A_42, %add3A_43 : i32
        %dma_start3A_45 = arith.constant 0 : i32
        %dma_start3A_46 = tpu.memref_slice %arg7[%add3A_44, %dma_start3A_45] : memref<25x80xi32, #tpu.memory_space<vmem>> -> memref<1x80xi32, #tpu.memory_space<vmem>>
        %dma_start3A_47 = tpu.memref_squeeze %dma_start3A_46 : memref<1x80xi32, #tpu.memory_space<vmem>> -> memref<80xi32, #tpu.memory_space<vmem>>
        %dma_start3A_48 = arith.constant 0 : i32
        %dma_start3A_49 = arith.constant 0 : i32
        %dma_start3A_50 = tpu.memref_slice %arg2[%dma_start3A_48, %dma_start3A_49] : memref<10000x128xf32, #tpu.memory_space<hbm>> -> memref<10000x128xf32, #tpu.memory_space<hbm>>
        tpu.enqueue_indirect_dma source(%dma_start3A_50 : memref<10000x128xf32, #tpu.memory_space<hbm>>) target(%arg10 : memref<80x128xf32, #tpu.memory_space<vmem>>) offsets(%dma_start3A_47 : memref<80xi32, #tpu.memory_space<vmem>>) semaphore(%arg13 : memref<!tpu.dma_semaphore, #tpu.memory_space<semaphore_mem>>)
        %dma_wait3A_51 = arith.constant 0 : i32
        %dma_wait3A_52 = tpu.memref_slice %arg7[%mul3A_42, %dma_wait3A_51] : memref<25x80xi32, #tpu.memory_space<vmem>> -> memref<1x80xi32, #tpu.memory_space<vmem>>
        %dma_wait3A_53 = tpu.memref_squeeze %dma_wait3A_52 : memref<1x80xi32, #tpu.memory_space<vmem>> -> memref<80xi32, #tpu.memory_space<vmem>>
        %dma_wait3A_54 = arith.constant 0 : i32
        %dma_wait3A_55 = arith.constant 0 : i32
        %dma_wait3A_56 = tpu.memref_slice %arg2[%dma_wait3A_54, %dma_wait3A_55] : memref<10000x128xf32, #tpu.memory_space<hbm>> -> memref<10000x128xf32, #tpu.memory_space<hbm>>
        tpu.wait_indirect_dma semaphore(%arg12 : memref<!tpu.dma_semaphore, #tpu.memory_space<semaphore_mem>>) src(%dma_wait3A_56 : memref<10000x128xf32, #tpu.memory_space<hbm>>) dst(%arg9 : memref<80x128xf32, #tpu.memory_space<vmem>>)
        "tpu.region"() ({
          %run_scoped3A_75 = tpu.sem_alloc : memref<!tpu.dma_semaphore, #tpu.memory_space<semaphore_mem>>
          %dma_start3A_76 = arith.constant 0 : i32
          %dma_start3A_77 = tpu.memref_slice %arg8[%mul3A_42, %dma_start3A_76] : memref<25x80xi32, #tpu.memory_space<vmem>> -> memref<1x80xi32, #tpu.memory_space<vmem>>
          %dma_start3A_78 = tpu.memref_squeeze %dma_start3A_77 : memref<1x80xi32, #tpu.memory_space<vmem>> -> memref<80xi32, #tpu.memory_space<vmem>>
          %dma_start3A_79 = arith.constant 0 : i32
          %dma_start3A_80 = arith.constant 0 : i32
          %dma_start3A_81 = tpu.memref_slice %arg11[%dma_start3A_79, %dma_start3A_80] : memref<10240x128xf32, #tpu.memory_space<vmem_shared>> -> memref<10240x128xf32, #tpu.memory_space<vmem_shared>>
          tpu.enqueue_indirect_dma source(%arg9 : memref<80x128xf32, #tpu.memory_space<vmem>>) target(%dma_start3A_81 : memref<10240x128xf32, #tpu.memory_space<vmem_shared>>) offsets(%dma_start3A_78 : memref<80xi32, #tpu.memory_space<vmem>>) semaphore(%run_scoped3A_75 : memref<!tpu.dma_semaphore, #tpu.memory_space<semaphore_mem>>) {add = true}
          %dma_wait3A_82 = arith.constant 0 : i32
          %dma_wait3A_83 = tpu.memref_slice %arg8[%mul3A_42, %dma_wait3A_82] : memref<25x80xi32, #tpu.memory_space<vmem>> -> memref<1x80xi32, #tpu.memory_space<vmem>>
          %dma_wait3A_84 = tpu.memref_squeeze %dma_wait3A_83 : memref<1x80xi32, #tpu.memory_space<vmem>> -> memref<80xi32, #tpu.memory_space<vmem>>
          %dma_wait3A_85 = arith.constant 0 : i32
          %dma_wait3A_86 = arith.constant 0 : i32
          %dma_wait3A_87 = tpu.memref_slice %arg11[%dma_wait3A_85, %dma_wait3A_86] : memref<10240x128xf32, #tpu.memory_space<vmem_shared>> -> memref<10240x128xf32, #tpu.memory_space<vmem_shared>>
          tpu.wait_indirect_dma semaphore(%run_scoped3A_75 : memref<!tpu.dma_semaphore, #tpu.memory_space<semaphore_mem>>) src(%arg9 : memref<80x128xf32, #tpu.memory_space<vmem>>) dst(%dma_wait3A_87 : memref<10240x128xf32, #tpu.memory_space<vmem_shared>>)
          tpu.yield
        }) : () -> ()
        %add3A_57 = arith.constant 2 : i32
        %add3A_58 = arith.addi %mul3A_42, %add3A_57 : i32
        %dma_start3A_59 = arith.constant 0 : i32
        %dma_start3A_60 = tpu.memref_slice %arg7[%add3A_58, %dma_start3A_59] : memref<25x80xi32, #tpu.memory_space<vmem>> -> memref<1x80xi32, #tpu.memory_space<vmem>>
        %dma_start3A_61 = tpu.memref_squeeze %dma_start3A_60 : memref<1x80xi32, #tpu.memory_space<vmem>> -> memref<80xi32, #tpu.memory_space<vmem>>
        %dma_start3A_62 = arith.constant 0 : i32
        %dma_start3A_63 = arith.constant 0 : i32
        %dma_start3A_64 = tpu.memref_slice %arg2[%dma_start3A_62, %dma_start3A_63] : memref<10000x128xf32, #tpu.memory_space<hbm>> -> memref<10000x128xf32, #tpu.memory_space<hbm>>
        tpu.enqueue_indirect_dma source(%dma_start3A_64 : memref<10000x128xf32, #tpu.memory_space<hbm>>) target(%arg9 : memref<80x128xf32, #tpu.memory_space<vmem>>) offsets(%dma_start3A_61 : memref<80xi32, #tpu.memory_space<vmem>>) semaphore(%arg12 : memref<!tpu.dma_semaphore, #tpu.memory_space<semaphore_mem>>)
        %add3A_65 = arith.constant 1 : i32
        %add3A_66 = arith.addi %mul3A_42, %add3A_65 : i32
        %dma_wait3A_67 = arith.constant 0 : i32
        %dma_wait3A_68 = tpu.memref_slice %arg7[%add3A_66, %dma_wait3A_67] : memref<25x80xi32, #tpu.memory_space<vmem>> -> memref<1x80xi32, #tpu.memory_space<vmem>>
        %dma_wait3A_69 = tpu.memref_squeeze %dma_wait3A_68 : memref<1x80xi32, #tpu.memory_space<vmem>> -> memref<80xi32, #tpu.memory_space<vmem>>
        %dma_wait3A_70 = arith.constant 0 : i32
        %dma_wait3A_71 = arith.constant 0 : i32
        %dma_wait3A_72 = tpu.memref_slice %arg2[%dma_wait3A_70, %dma_wait3A_71] : memref<10000x128xf32, #tpu.memory_space<hbm>> -> memref<10000x128xf32, #tpu.memory_space<hbm>>
        tpu.wait_indirect_dma semaphore(%arg13 : memref<!tpu.dma_semaphore, #tpu.memory_space<semaphore_mem>>) src(%dma_wait3A_72 : memref<10000x128xf32, #tpu.memory_space<hbm>>) dst(%arg10 : memref<80x128xf32, #tpu.memory_space<vmem>>)
        %add3A_73 = arith.constant 1 : i32
        %add3A_74 = arith.addi %mul3A_42, %add3A_73 : i32
        "tpu.region"() ({
          %run_scoped3A_75 = tpu.sem_alloc : memref<!tpu.dma_semaphore, #tpu.memory_space<semaphore_mem>>
          %dma_start3A_76 = arith.constant 0 : i32
          %dma_start3A_77 = tpu.memref_slice %arg8[%add3A_74, %dma_start3A_76] : memref<25x80xi32, #tpu.memory_space<vmem>> -> memref<1x80xi32, #tpu.memory_space<vmem>>
          %dma_start3A_78 = tpu.memref_squeeze %dma_start3A_77 : memref<1x80xi32, #tpu.memory_space<vmem>> -> memref<80xi32, #tpu.memory_space<vmem>>
          %dma_start3A_79 = arith.constant 0 : i32
          %dma_start3A_80 = arith.constant 0 : i32
          %dma_start3A_81 = tpu.memref_slice %arg11[%dma_start3A_79, %dma_start3A_80] : memref<10240x128xf32, #tpu.memory_space<vmem_shared>> -> memref<10240x128xf32, #tpu.memory_space<vmem_shared>>
          tpu.enqueue_indirect_dma source(%arg10 : memref<80x128xf32, #tpu.memory_space<vmem>>) target(%dma_start3A_81 : memref<10240x128xf32, #tpu.memory_space<vmem_shared>>) offsets(%dma_start3A_78 : memref<80xi32, #tpu.memory_space<vmem>>) semaphore(%run_scoped3A_75 : memref<!tpu.dma_semaphore, #tpu.memory_space<semaphore_mem>>) {add = true}
          %dma_wait3A_82 = arith.constant 0 : i32
          %dma_wait3A_83 = tpu.memref_slice %arg8[%add3A_74, %dma_wait3A_82] : memref<25x80xi32, #tpu.memory_space<vmem>> -> memref<1x80xi32, #tpu.memory_space<vmem>>
          %dma_wait3A_84 = tpu.memref_squeeze %dma_wait3A_83 : memref<1x80xi32, #tpu.memory_space<vmem>> -> memref<80xi32, #tpu.memory_space<vmem>>
          %dma_wait3A_85 = arith.constant 0 : i32
          %dma_wait3A_86 = arith.constant 0 : i32
          %dma_wait3A_87 = tpu.memref_slice %arg11[%dma_wait3A_85, %dma_wait3A_86] : memref<10240x128xf32, #tpu.memory_space<vmem_shared>> -> memref<10240x128xf32, #tpu.memory_space<vmem_shared>>
          tpu.wait_indirect_dma semaphore(%run_scoped3A_75 : memref<!tpu.dma_semaphore, #tpu.memory_space<semaphore_mem>>) src(%arg10 : memref<80x128xf32, #tpu.memory_space<vmem>>) dst(%dma_wait3A_87 : memref<10240x128xf32, #tpu.memory_space<vmem_shared>>)
          tpu.yield
        }) : () -> ()
      }
      %scan3A_29 = arith.constant 12 : i32
      %dma_wait3A = arith.constant 24 : i32
      %dma_wait3A_30 = arith.constant 0 : i32
      %dma_wait3A_31 = tpu.memref_slice %arg7[%dma_wait3A, %dma_wait3A_30] : memref<25x80xi32, #tpu.memory_space<vmem>> -> memref<1x80xi32, #tpu.memory_space<vmem>>
      %dma_wait3A_32 = tpu.memref_squeeze %dma_wait3A_31 : memref<1x80xi32, #tpu.memory_space<vmem>> -> memref<80xi32, #tpu.memory_space<vmem>>
      %dma_wait3A_33 = arith.constant 0 : i32
      %dma_wait3A_34 = arith.constant 0 : i32
      %dma_wait3A_35 = tpu.memref_slice %arg2[%dma_wait3A_33, %dma_wait3A_34] : memref<10000x128xf32, #tpu.memory_space<hbm>> -> memref<10000x128xf32, #tpu.memory_space<hbm>>
      tpu.wait_indirect_dma semaphore(%arg12 : memref<!tpu.dma_semaphore, #tpu.memory_space<semaphore_mem>>) src(%dma_wait3A_35 : memref<10000x128xf32, #tpu.memory_space<hbm>>) dst(%arg9 : memref<80x128xf32, #tpu.memory_space<vmem>>)
      %run_scoped3A = arith.constant 24 : i32
      "tpu.region"() ({
        %run_scoped3A_36 = tpu.sem_alloc : memref<!tpu.dma_semaphore, #tpu.memory_space<semaphore_mem>>
        %dma_start3A_37 = arith.constant 0 : i32
        %dma_start3A_38 = tpu.memref_slice %arg8[%run_scoped3A, %dma_start3A_37] : memref<25x80xi32, #tpu.memory_space<vmem>> -> memref<1x80xi32, #tpu.memory_space<vmem>>
        %dma_start3A_39 = tpu.memref_squeeze %dma_start3A_38 : memref<1x80xi32, #tpu.memory_space<vmem>> -> memref<80xi32, #tpu.memory_space<vmem>>
        %dma_start3A_40 = arith.constant 0 : i32
        %dma_start3A_41 = arith.constant 0 : i32
        %dma_start3A_42 = tpu.memref_slice %arg11[%dma_start3A_40, %dma_start3A_41] : memref<10240x128xf32, #tpu.memory_space<vmem_shared>> -> memref<10240x128xf32, #tpu.memory_space<vmem_shared>>
        tpu.enqueue_indirect_dma source(%arg9 : memref<80x128xf32, #tpu.memory_space<vmem>>) target(%dma_start3A_42 : memref<10240x128xf32, #tpu.memory_space<vmem_shared>>) offsets(%dma_start3A_39 : memref<80xi32, #tpu.memory_space<vmem>>) semaphore(%run_scoped3A_36 : memref<!tpu.dma_semaphore, #tpu.memory_space<semaphore_mem>>) {add = true}
        %dma_wait3A_43 = arith.constant 0 : i32
        %dma_wait3A_44 = tpu.memref_slice %arg8[%run_scoped3A, %dma_wait3A_43] : memref<25x80xi32, #tpu.memory_space<vmem>> -> memref<1x80xi32, #tpu.memory_space<vmem>>
        %dma_wait3A_45 = tpu.memref_squeeze %dma_wait3A_44 : memref<1x80xi32, #tpu.memory_space<vmem>> -> memref<80xi32, #tpu.memory_space<vmem>>
        %dma_wait3A_46 = arith.constant 0 : i32
        %dma_wait3A_47 = arith.constant 0 : i32
        %dma_wait3A_48 = tpu.memref_slice %arg11[%dma_wait3A_46, %dma_wait3A_47] : memref<10240x128xf32, #tpu.memory_space<vmem_shared>> -> memref<10240x128xf32, #tpu.memory_space<vmem_shared>>
        tpu.wait_indirect_dma semaphore(%run_scoped3A_36 : memref<!tpu.dma_semaphore, #tpu.memory_space<semaphore_mem>>) src(%arg9 : memref<80x128xf32, #tpu.memory_space<vmem>>) dst(%dma_wait3A_48 : memref<10240x128xf32, #tpu.memory_space<vmem_shared>>)
        tpu.yield
      }) : () -> ()
    }
    %scan3A_8 = arith.constant 5 : i32
    %barrier3A_9 = arith.constant 0 : index
    tpu.barrier barrier_id(%barrier3A_9)
    %mul3A_10 = arith.constant 640 : i32
    %mul3A_11 = arith.muli %arg1, %mul3A_10 : i32
    %mul3A_12 = arith.constant 640 : i32
    %mul3A_13 = arith.muli %arg1, %mul3A_12 : i32
    "tpu.region"() ({
      %run_scoped3A = tpu.sem_alloc : memref<!tpu.dma_semaphore, #tpu.memory_space<semaphore_mem>>
      %dma_start3A = arith.constant 0 : i32
      %dma_start3A_14 = tpu.memref_slice %arg6[%arg0, %mul3A_13, %dma_start3A] : memref<2x10240x128xf32, #tpu.memory_space<hbm>> -> memref<1x640x128xf32, #tpu.memory_space<hbm>>
      %dma_start3A_15 = tpu.memref_squeeze %dma_start3A_14 : memref<1x640x128xf32, #tpu.memory_space<hbm>> -> memref<640x128xf32, #tpu.memory_space<hbm>>
      %dma_start3A_16 = arith.constant 0 : i32
      %dma_start3A_17 = tpu.memref_slice %arg11[%mul3A_11, %dma_start3A_16] : memref<10240x128xf32, #tpu.memory_space<vmem_shared>> -> memref<640x128xf32, #tpu.memory_space<vmem_shared>>
      tpu.enqueue_dma source(%dma_start3A_17 : memref<640x128xf32, #tpu.memory_space<vmem_shared>>) target(%dma_start3A_15 : memref<640x128xf32, #tpu.memory_space<hbm>>) target_semaphore(%run_scoped3A : memref<!tpu.dma_semaphore, #tpu.memory_space<semaphore_mem>>)
      %dma_wait3A = arith.constant 0 : i32
      %dma_wait3A_18 = tpu.memref_slice %arg6[%arg0, %mul3A_13, %dma_wait3A] : memref<2x10240x128xf32, #tpu.memory_space<hbm>> -> memref<1x640x128xf32, #tpu.memory_space<hbm>>
      %dma_wait3A_19 = tpu.memref_squeeze %dma_wait3A_18 : memref<1x640x128xf32, #tpu.memory_space<hbm>> -> memref<640x128xf32, #tpu.memory_space<hbm>>
      %dma_wait3A_20 = arith.constant 0 : i32
      %dma_wait3A_21 = tpu.memref_slice %arg11[%mul3A_11, %dma_wait3A_20] : memref<10240x128xf32, #tpu.memory_space<vmem_shared>> -> memref<640x128xf32, #tpu.memory_space<vmem_shared>>
      tpu.wait_dma2 semaphore(%run_scoped3A : memref<!tpu.dma_semaphore, #tpu.memory_space<semaphore_mem>>) src(%dma_wait3A_21 : memref<640x128xf32, #tpu.memory_space<vmem_shared>>) dst(%dma_wait3A_19 : memref<640x128xf32, #tpu.memory_space<hbm>>)
      tpu.yield
    }) : () -> ()
    return
  }
}

#map = affine_map<(d0, d1) -> (0, 0, 0)>
#map1 = affine_map<(d0, d1) -> (0, 0)>
module attributes {stable_mosaic.version = 14 : i64} {
  func.func @_sc_deg(%arg0: i32, %arg1: i32, %arg2: memref<32x125x80xi32, #tpu.memory_space<hbm>>, %arg3: memref<80x128xf32, #tpu.memory_space<hbm>>, %arg4: memref<10240x128xf32, #tpu.memory_space<hbm>>, %arg5: memref<2x10240x128xf32, #tpu.memory_space<hbm>>, %arg6: memref<125x80xi32, #tpu.memory_space<vmem>>, %arg7: memref<80x128xf32, #tpu.memory_space<vmem>>, %arg8: memref<10240x128xf32, #tpu.memory_space<vmem_shared>>) attributes {dimension_semantics = [#tpu.dimension_semantics<core_parallel>, #tpu.dimension_semantics<subcore_parallel>], iteration_bounds = array<i64: 2, 16>, scalar_prefetch = 0 : i64, scratch_operands = 3 : i64, tpu.core_type = #tpu.core_type<sc_vector_subcore>, window_params = [{transform_indices = #map}, {transform_indices = #map1}, {transform_indices = #map1}, {transform_indices = #map}]} {
    %mul3A = arith.constant 2 : i32
    %mul3A_0 = arith.muli %arg1, %mul3A : i32
    %add3A = arith.addi %mul3A_0, %arg0 : i32
    "tpu.region"() ({
      %run_scoped3A = tpu.sem_alloc : memref<!tpu.dma_semaphore, #tpu.memory_space<semaphore_mem>>
      tpu.enqueue_dma source(%arg3 : memref<80x128xf32, #tpu.memory_space<hbm>>) target(%arg7 : memref<80x128xf32, #tpu.memory_space<vmem>>) target_semaphore(%run_scoped3A : memref<!tpu.dma_semaphore, #tpu.memory_space<semaphore_mem>>)
      tpu.wait_dma2 semaphore(%run_scoped3A : memref<!tpu.dma_semaphore, #tpu.memory_space<semaphore_mem>>) src(%arg3 : memref<80x128xf32, #tpu.memory_space<hbm>>) dst(%arg7 : memref<80x128xf32, #tpu.memory_space<vmem>>)
      tpu.yield
    }) : () -> ()
    "tpu.region"() ({
      %run_scoped3A = tpu.sem_alloc : memref<!tpu.dma_semaphore, #tpu.memory_space<semaphore_mem>>
      %dma_start3A = arith.constant 0 : i32
      %dma_start3A_14 = arith.constant 0 : i32
      %dma_start3A_15 = tpu.memref_slice %arg2[%add3A, %dma_start3A, %dma_start3A_14] : memref<32x125x80xi32, #tpu.memory_space<hbm>> -> memref<1x125x80xi32, #tpu.memory_space<hbm>>
      %dma_start3A_16 = tpu.memref_squeeze %dma_start3A_15 : memref<1x125x80xi32, #tpu.memory_space<hbm>> -> memref<125x80xi32, #tpu.memory_space<hbm>>
      %dma_start3A_17 = arith.constant 0 : i32
      %dma_start3A_18 = arith.constant 0 : i32
      %dma_start3A_19 = tpu.memref_slice %arg2[%add3A, %dma_start3A_17, %dma_start3A_18] : memref<32x125x80xi32, #tpu.memory_space<hbm>> -> memref<1x125x80xi32, #tpu.memory_space<hbm>>
      %dma_start3A_20 = tpu.memref_squeeze %dma_start3A_19 : memref<1x125x80xi32, #tpu.memory_space<hbm>> -> memref<125x80xi32, #tpu.memory_space<hbm>>
      tpu.enqueue_dma source(%dma_start3A_20 : memref<125x80xi32, #tpu.memory_space<hbm>>) target(%arg6 : memref<125x80xi32, #tpu.memory_space<vmem>>) target_semaphore(%run_scoped3A : memref<!tpu.dma_semaphore, #tpu.memory_space<semaphore_mem>>)
      %dma_wait3A = arith.constant 0 : i32
      %dma_wait3A_21 = arith.constant 0 : i32
      %dma_wait3A_22 = tpu.memref_slice %arg2[%add3A, %dma_wait3A, %dma_wait3A_21] : memref<32x125x80xi32, #tpu.memory_space<hbm>> -> memref<1x125x80xi32, #tpu.memory_space<hbm>>
      %dma_wait3A_23 = tpu.memref_squeeze %dma_wait3A_22 : memref<1x125x80xi32, #tpu.memory_space<hbm>> -> memref<125x80xi32, #tpu.memory_space<hbm>>
      %dma_wait3A_24 = arith.constant 0 : i32
      %dma_wait3A_25 = arith.constant 0 : i32
      %dma_wait3A_26 = tpu.memref_slice %arg2[%add3A, %dma_wait3A_24, %dma_wait3A_25] : memref<32x125x80xi32, #tpu.memory_space<hbm>> -> memref<1x125x80xi32, #tpu.memory_space<hbm>>
      %dma_wait3A_27 = tpu.memref_squeeze %dma_wait3A_26 : memref<1x125x80xi32, #tpu.memory_space<hbm>> -> memref<125x80xi32, #tpu.memory_space<hbm>>
      tpu.wait_dma2 semaphore(%run_scoped3A : memref<!tpu.dma_semaphore, #tpu.memory_space<semaphore_mem>>) src(%dma_wait3A_27 : memref<125x80xi32, #tpu.memory_space<hbm>>) dst(%arg6 : memref<125x80xi32, #tpu.memory_space<vmem>>)
      tpu.yield
    }) : () -> ()
    %mul3A_1 = arith.constant 640 : i32
    %mul3A_2 = arith.muli %arg1, %mul3A_1 : i32
    %mul3A_3 = arith.constant 640 : i32
    %mul3A_4 = arith.muli %arg1, %mul3A_3 : i32
    "tpu.region"() ({
      %run_scoped3A = tpu.sem_alloc : memref<!tpu.dma_semaphore, #tpu.memory_space<semaphore_mem>>
      %dma_start3A = arith.constant 0 : i32
      %dma_start3A_14 = tpu.memref_slice %arg8[%mul3A_4, %dma_start3A] : memref<10240x128xf32, #tpu.memory_space<vmem_shared>> -> memref<640x128xf32, #tpu.memory_space<vmem_shared>>
      %dma_start3A_15 = arith.constant 0 : i32
      %dma_start3A_16 = tpu.memref_slice %arg4[%mul3A_2, %dma_start3A_15] : memref<10240x128xf32, #tpu.memory_space<hbm>> -> memref<640x128xf32, #tpu.memory_space<hbm>>
      tpu.enqueue_dma source(%dma_start3A_16 : memref<640x128xf32, #tpu.memory_space<hbm>>) target(%dma_start3A_14 : memref<640x128xf32, #tpu.memory_space<vmem_shared>>) target_semaphore(%run_scoped3A : memref<!tpu.dma_semaphore, #tpu.memory_space<semaphore_mem>>)
      %dma_wait3A = arith.constant 0 : i32
      %dma_wait3A_17 = tpu.memref_slice %arg8[%mul3A_4, %dma_wait3A] : memref<10240x128xf32, #tpu.memory_space<vmem_shared>> -> memref<640x128xf32, #tpu.memory_space<vmem_shared>>
      %dma_wait3A_18 = arith.constant 0 : i32
      %dma_wait3A_19 = tpu.memref_slice %arg4[%mul3A_2, %dma_wait3A_18] : memref<10240x128xf32, #tpu.memory_space<hbm>> -> memref<640x128xf32, #tpu.memory_space<hbm>>
      tpu.wait_dma2 semaphore(%run_scoped3A : memref<!tpu.dma_semaphore, #tpu.memory_space<semaphore_mem>>) src(%dma_wait3A_19 : memref<640x128xf32, #tpu.memory_space<hbm>>) dst(%dma_wait3A_17 : memref<640x128xf32, #tpu.memory_space<vmem_shared>>)
      tpu.yield
    }) : () -> ()
    %barrier3A = arith.constant 0 : index
    tpu.barrier barrier_id(%barrier3A)
    %scan3A = arith.constant 0 : i32
    %scan3A_5 = arith.constant 125 : i32
    %scan3A_6 = arith.addi %scan3A, %scan3A_5 : i32
    %scan3A_7 = arith.constant 1 : i32
    scf.for %scan3A_14 = %scan3A to %scan3A_6 step %scan3A_7  : i32 {
      %mul3A_15 = arith.constant 1 : i32
      %mul3A_16 = arith.muli %scan3A_14, %mul3A_15 : i32
      %add3A_17 = arith.constant 0 : i32
      %add3A_18 = arith.addi %add3A_17, %mul3A_16 : i32
      "tpu.region"() ({
        %run_scoped3A = tpu.sem_alloc : memref<!tpu.dma_semaphore, #tpu.memory_space<semaphore_mem>>
        %dma_start3A = arith.constant 0 : i32
        %dma_start3A_19 = tpu.memref_slice %arg6[%add3A_18, %dma_start3A] : memref<125x80xi32, #tpu.memory_space<vmem>> -> memref<1x80xi32, #tpu.memory_space<vmem>>
        %dma_start3A_20 = tpu.memref_squeeze %dma_start3A_19 : memref<1x80xi32, #tpu.memory_space<vmem>> -> memref<80xi32, #tpu.memory_space<vmem>>
        %dma_start3A_21 = arith.constant 0 : i32
        %dma_start3A_22 = arith.constant 0 : i32
        %dma_start3A_23 = tpu.memref_slice %arg8[%dma_start3A_21, %dma_start3A_22] : memref<10240x128xf32, #tpu.memory_space<vmem_shared>> -> memref<10240x128xf32, #tpu.memory_space<vmem_shared>>
        tpu.enqueue_indirect_dma source(%arg7 : memref<80x128xf32, #tpu.memory_space<vmem>>) target(%dma_start3A_23 : memref<10240x128xf32, #tpu.memory_space<vmem_shared>>) offsets(%dma_start3A_20 : memref<80xi32, #tpu.memory_space<vmem>>) semaphore(%run_scoped3A : memref<!tpu.dma_semaphore, #tpu.memory_space<semaphore_mem>>) {add = true}
        %dma_wait3A = arith.constant 0 : i32
        %dma_wait3A_24 = tpu.memref_slice %arg6[%add3A_18, %dma_wait3A] : memref<125x80xi32, #tpu.memory_space<vmem>> -> memref<1x80xi32, #tpu.memory_space<vmem>>
        %dma_wait3A_25 = tpu.memref_squeeze %dma_wait3A_24 : memref<1x80xi32, #tpu.memory_space<vmem>> -> memref<80xi32, #tpu.memory_space<vmem>>
        %dma_wait3A_26 = arith.constant 0 : i32
        %dma_wait3A_27 = arith.constant 0 : i32
        %dma_wait3A_28 = tpu.memref_slice %arg8[%dma_wait3A_26, %dma_wait3A_27] : memref<10240x128xf32, #tpu.memory_space<vmem_shared>> -> memref<10240x128xf32, #tpu.memory_space<vmem_shared>>
        tpu.wait_indirect_dma semaphore(%run_scoped3A : memref<!tpu.dma_semaphore, #tpu.memory_space<semaphore_mem>>) src(%arg7 : memref<80x128xf32, #tpu.memory_space<vmem>>) dst(%dma_wait3A_28 : memref<10240x128xf32, #tpu.memory_space<vmem_shared>>)
        tpu.yield
      }) : () -> ()
    }
    %scan3A_8 = arith.constant 125 : i32
    %barrier3A_9 = arith.constant 0 : index
    tpu.barrier barrier_id(%barrier3A_9)
    %mul3A_10 = arith.constant 640 : i32
    %mul3A_11 = arith.muli %arg1, %mul3A_10 : i32
    %mul3A_12 = arith.constant 640 : i32
    %mul3A_13 = arith.muli %arg1, %mul3A_12 : i32
    "tpu.region"() ({
      %run_scoped3A = tpu.sem_alloc : memref<!tpu.dma_semaphore, #tpu.memory_space<semaphore_mem>>
      %dma_start3A = arith.constant 0 : i32
      %dma_start3A_14 = tpu.memref_slice %arg5[%arg0, %mul3A_13, %dma_start3A] : memref<2x10240x128xf32, #tpu.memory_space<hbm>> -> memref<1x640x128xf32, #tpu.memory_space<hbm>>
      %dma_start3A_15 = tpu.memref_squeeze %dma_start3A_14 : memref<1x640x128xf32, #tpu.memory_space<hbm>> -> memref<640x128xf32, #tpu.memory_space<hbm>>
      %dma_start3A_16 = arith.constant 0 : i32
      %dma_start3A_17 = tpu.memref_slice %arg8[%mul3A_11, %dma_start3A_16] : memref<10240x128xf32, #tpu.memory_space<vmem_shared>> -> memref<640x128xf32, #tpu.memory_space<vmem_shared>>
      tpu.enqueue_dma source(%dma_start3A_17 : memref<640x128xf32, #tpu.memory_space<vmem_shared>>) target(%dma_start3A_15 : memref<640x128xf32, #tpu.memory_space<hbm>>) target_semaphore(%run_scoped3A : memref<!tpu.dma_semaphore, #tpu.memory_space<semaphore_mem>>)
      %dma_wait3A = arith.constant 0 : i32
      %dma_wait3A_18 = tpu.memref_slice %arg5[%arg0, %mul3A_13, %dma_wait3A] : memref<2x10240x128xf32, #tpu.memory_space<hbm>> -> memref<1x640x128xf32, #tpu.memory_space<hbm>>
      %dma_wait3A_19 = tpu.memref_squeeze %dma_wait3A_18 : memref<1x640x128xf32, #tpu.memory_space<hbm>> -> memref<640x128xf32, #tpu.memory_space<hbm>>
      %dma_wait3A_20 = arith.constant 0 : i32
      %dma_wait3A_21 = tpu.memref_slice %arg8[%mul3A_11, %dma_wait3A_20] : memref<10240x128xf32, #tpu.memory_space<vmem_shared>> -> memref<640x128xf32, #tpu.memory_space<vmem_shared>>
      tpu.wait_dma2 semaphore(%run_scoped3A : memref<!tpu.dma_semaphore, #tpu.memory_space<semaphore_mem>>) src(%dma_wait3A_21 : memref<640x128xf32, #tpu.memory_space<vmem_shared>>) dst(%dma_wait3A_19 : memref<640x128xf32, #tpu.memory_space<hbm>>)
      tpu.yield
    }) : () -> ()
    return
  }
}

#map = affine_map<(d0, d1) -> (0, 0)>
#map1 = affine_map<(d0, d1) -> (0, 0, 0, 0)>
#map2 = affine_map<(d0, d1) -> (0, 0, 0)>
module attributes {stable_mosaic.version = 14 : i64} {
  func.func @_sc_agg(%arg0: i32, %arg1: i32, %arg2: memref<10000x128xf32, #tpu.memory_space<hbm>>, %arg3: memref<32x5x25x80xi32, #tpu.memory_space<hbm>>, %arg4: memref<32x5x25x80xi32, #tpu.memory_space<hbm>>, %arg5: memref<10240x128xf32, #tpu.memory_space<hbm>>, %arg6: memref<2x10240x128xf32, #tpu.memory_space<hbm>>, %arg7: memref<25x80xi32, #tpu.memory_space<vmem>>, %arg8: memref<25x80xi32, #tpu.memory_space<vmem>>, %arg9: memref<80x128xf32, #tpu.memory_space<vmem>>, %arg10: memref<80x128xf32, #tpu.memory_space<vmem>>, %arg11: memref<10240x128xf32, #tpu.memory_space<vmem_shared>>, %arg12: memref<!tpu.dma_semaphore, #tpu.memory_space<semaphore_mem>>, %arg13: memref<!tpu.dma_semaphore, #tpu.memory_space<semaphore_mem>>) attributes {dimension_semantics = [#tpu.dimension_semantics<core_parallel>, #tpu.dimension_semantics<subcore_parallel>], iteration_bounds = array<i64: 2, 16>, scalar_prefetch = 0 : i64, scratch_operands = 7 : i64, tpu.core_type = #tpu.core_type<sc_vector_subcore>, window_params = [{transform_indices = #map}, {transform_indices = #map1}, {transform_indices = #map1}, {transform_indices = #map}, {transform_indices = #map2}]} {
    %mul3A = arith.constant 2 : i32
    %mul3A_0 = arith.muli %arg1, %mul3A : i32
    %add3A = arith.addi %mul3A_0, %arg0 : i32
    %mul3A_1 = arith.constant 640 : i32
    %mul3A_2 = arith.muli %arg1, %mul3A_1 : i32
    %mul3A_3 = arith.constant 640 : i32
    %mul3A_4 = arith.muli %arg1, %mul3A_3 : i32
    "tpu.region"() ({
      %run_scoped3A = tpu.sem_alloc : memref<!tpu.dma_semaphore, #tpu.memory_space<semaphore_mem>>
      %dma_start3A = arith.constant 0 : i32
      %dma_start3A_14 = tpu.memref_slice %arg11[%mul3A_4, %dma_start3A] : memref<10240x128xf32, #tpu.memory_space<vmem_shared>> -> memref<640x128xf32, #tpu.memory_space<vmem_shared>>
      %dma_start3A_15 = arith.constant 0 : i32
      %dma_start3A_16 = tpu.memref_slice %arg5[%mul3A_2, %dma_start3A_15] : memref<10240x128xf32, #tpu.memory_space<hbm>> -> memref<640x128xf32, #tpu.memory_space<hbm>>
      tpu.enqueue_dma source(%dma_start3A_16 : memref<640x128xf32, #tpu.memory_space<hbm>>) target(%dma_start3A_14 : memref<640x128xf32, #tpu.memory_space<vmem_shared>>) target_semaphore(%run_scoped3A : memref<!tpu.dma_semaphore, #tpu.memory_space<semaphore_mem>>)
      %dma_wait3A = arith.constant 0 : i32
      %dma_wait3A_17 = tpu.memref_slice %arg11[%mul3A_4, %dma_wait3A] : memref<10240x128xf32, #tpu.memory_space<vmem_shared>> -> memref<640x128xf32, #tpu.memory_space<vmem_shared>>
      %dma_wait3A_18 = arith.constant 0 : i32
      %dma_wait3A_19 = tpu.memref_slice %arg5[%mul3A_2, %dma_wait3A_18] : memref<10240x128xf32, #tpu.memory_space<hbm>> -> memref<640x128xf32, #tpu.memory_space<hbm>>
      tpu.wait_dma2 semaphore(%run_scoped3A : memref<!tpu.dma_semaphore, #tpu.memory_space<semaphore_mem>>) src(%dma_wait3A_19 : memref<640x128xf32, #tpu.memory_space<hbm>>) dst(%dma_wait3A_17 : memref<640x128xf32, #tpu.memory_space<vmem_shared>>)
      tpu.yield
    }) : () -> ()
    %barrier3A = arith.constant 0 : index
    tpu.barrier barrier_id(%barrier3A)
    %scan3A = arith.constant 0 : i32
    %scan3A_5 = arith.constant 5 : i32
    %scan3A_6 = arith.addi %scan3A, %scan3A_5 : i32
    %scan3A_7 = arith.constant 1 : i32
    scf.for %scan3A_14 = %scan3A to %scan3A_6 step %scan3A_7  : i32 {
      %mul3A_15 = arith.constant 1 : i32
      %mul3A_16 = arith.muli %scan3A_14, %mul3A_15 : i32
      %add3A_17 = arith.constant 0 : i32
      %add3A_18 = arith.addi %add3A_17, %mul3A_16 : i32
      "tpu.region"() ({
        %run_scoped3A_36 = tpu.sem_alloc : memref<!tpu.dma_semaphore, #tpu.memory_space<semaphore_mem>>
        %dma_start3A_37 = arith.constant 0 : i32
        %dma_start3A_38 = arith.constant 0 : i32
        %dma_start3A_39 = tpu.memref_slice %arg3[%add3A, %add3A_18, %dma_start3A_37, %dma_start3A_38] : memref<32x5x25x80xi32, #tpu.memory_space<hbm>> -> memref<1x1x25x80xi32, #tpu.memory_space<hbm>>
        %dma_start3A_40 = tpu.memref_squeeze %dma_start3A_39 : memref<1x1x25x80xi32, #tpu.memory_space<hbm>> -> memref<25x80xi32, #tpu.memory_space<hbm>>
        %dma_start3A_41 = arith.constant 0 : i32
        %dma_start3A_42 = arith.constant 0 : i32
        %dma_start3A_43 = tpu.memref_slice %arg3[%add3A, %add3A_18, %dma_start3A_41, %dma_start3A_42] : memref<32x5x25x80xi32, #tpu.memory_space<hbm>> -> memref<1x1x25x80xi32, #tpu.memory_space<hbm>>
        %dma_start3A_44 = tpu.memref_squeeze %dma_start3A_43 : memref<1x1x25x80xi32, #tpu.memory_space<hbm>> -> memref<25x80xi32, #tpu.memory_space<hbm>>
        tpu.enqueue_dma source(%dma_start3A_44 : memref<25x80xi32, #tpu.memory_space<hbm>>) target(%arg7 : memref<25x80xi32, #tpu.memory_space<vmem>>) target_semaphore(%run_scoped3A_36 : memref<!tpu.dma_semaphore, #tpu.memory_space<semaphore_mem>>)
        %dma_wait3A_45 = arith.constant 0 : i32
        %dma_wait3A_46 = arith.constant 0 : i32
        %dma_wait3A_47 = tpu.memref_slice %arg3[%add3A, %add3A_18, %dma_wait3A_45, %dma_wait3A_46] : memref<32x5x25x80xi32, #tpu.memory_space<hbm>> -> memref<1x1x25x80xi32, #tpu.memory_space<hbm>>
        %dma_wait3A_48 = tpu.memref_squeeze %dma_wait3A_47 : memref<1x1x25x80xi32, #tpu.memory_space<hbm>> -> memref<25x80xi32, #tpu.memory_space<hbm>>
        %dma_wait3A_49 = arith.constant 0 : i32
        %dma_wait3A_50 = arith.constant 0 : i32
        %dma_wait3A_51 = tpu.memref_slice %arg3[%add3A, %add3A_18, %dma_wait3A_49, %dma_wait3A_50] : memref<32x5x25x80xi32, #tpu.memory_space<hbm>> -> memref<1x1x25x80xi32, #tpu.memory_space<hbm>>
        %dma_wait3A_52 = tpu.memref_squeeze %dma_wait3A_51 : memref<1x1x25x80xi32, #tpu.memory_space<hbm>> -> memref<25x80xi32, #tpu.memory_space<hbm>>
        tpu.wait_dma2 semaphore(%run_scoped3A_36 : memref<!tpu.dma_semaphore, #tpu.memory_space<semaphore_mem>>) src(%dma_wait3A_52 : memref<25x80xi32, #tpu.memory_space<hbm>>) dst(%arg7 : memref<25x80xi32, #tpu.memory_space<vmem>>)
        tpu.yield
      }) : () -> ()
      "tpu.region"() ({
        %run_scoped3A_36 = tpu.sem_alloc : memref<!tpu.dma_semaphore, #tpu.memory_space<semaphore_mem>>
        %dma_start3A_37 = arith.constant 0 : i32
        %dma_start3A_38 = arith.constant 0 : i32
        %dma_start3A_39 = tpu.memref_slice %arg4[%add3A, %add3A_18, %dma_start3A_37, %dma_start3A_38] : memref<32x5x25x80xi32, #tpu.memory_space<hbm>> -> memref<1x1x25x80xi32, #tpu.memory_space<hbm>>
        %dma_start3A_40 = tpu.memref_squeeze %dma_start3A_39 : memref<1x1x25x80xi32, #tpu.memory_space<hbm>> -> memref<25x80xi32, #tpu.memory_space<hbm>>
        %dma_start3A_41 = arith.constant 0 : i32
        %dma_start3A_42 = arith.constant 0 : i32
        %dma_start3A_43 = tpu.memref_slice %arg4[%add3A, %add3A_18, %dma_start3A_41, %dma_start3A_42] : memref<32x5x25x80xi32, #tpu.memory_space<hbm>> -> memref<1x1x25x80xi32, #tpu.memory_space<hbm>>
        %dma_start3A_44 = tpu.memref_squeeze %dma_start3A_43 : memref<1x1x25x80xi32, #tpu.memory_space<hbm>> -> memref<25x80xi32, #tpu.memory_space<hbm>>
        tpu.enqueue_dma source(%dma_start3A_44 : memref<25x80xi32, #tpu.memory_space<hbm>>) target(%arg8 : memref<25x80xi32, #tpu.memory_space<vmem>>) target_semaphore(%run_scoped3A_36 : memref<!tpu.dma_semaphore, #tpu.memory_space<semaphore_mem>>)
        %dma_wait3A_45 = arith.constant 0 : i32
        %dma_wait3A_46 = arith.constant 0 : i32
        %dma_wait3A_47 = tpu.memref_slice %arg4[%add3A, %add3A_18, %dma_wait3A_45, %dma_wait3A_46] : memref<32x5x25x80xi32, #tpu.memory_space<hbm>> -> memref<1x1x25x80xi32, #tpu.memory_space<hbm>>
        %dma_wait3A_48 = tpu.memref_squeeze %dma_wait3A_47 : memref<1x1x25x80xi32, #tpu.memory_space<hbm>> -> memref<25x80xi32, #tpu.memory_space<hbm>>
        %dma_wait3A_49 = arith.constant 0 : i32
        %dma_wait3A_50 = arith.constant 0 : i32
        %dma_wait3A_51 = tpu.memref_slice %arg4[%add3A, %add3A_18, %dma_wait3A_49, %dma_wait3A_50] : memref<32x5x25x80xi32, #tpu.memory_space<hbm>> -> memref<1x1x25x80xi32, #tpu.memory_space<hbm>>
        %dma_wait3A_52 = tpu.memref_squeeze %dma_wait3A_51 : memref<1x1x25x80xi32, #tpu.memory_space<hbm>> -> memref<25x80xi32, #tpu.memory_space<hbm>>
        tpu.wait_dma2 semaphore(%run_scoped3A_36 : memref<!tpu.dma_semaphore, #tpu.memory_space<semaphore_mem>>) src(%dma_wait3A_52 : memref<25x80xi32, #tpu.memory_space<hbm>>) dst(%arg8 : memref<25x80xi32, #tpu.memory_space<vmem>>)
        tpu.yield
      }) : () -> ()
      %dma_start3A = arith.constant 0 : i32
      %dma_start3A_19 = arith.constant 0 : i32
      %dma_start3A_20 = tpu.memref_slice %arg7[%dma_start3A, %dma_start3A_19] : memref<25x80xi32, #tpu.memory_space<vmem>> -> memref<1x80xi32, #tpu.memory_space<vmem>>
      %dma_start3A_21 = tpu.memref_squeeze %dma_start3A_20 : memref<1x80xi32, #tpu.memory_space<vmem>> -> memref<80xi32, #tpu.memory_space<vmem>>
      %dma_start3A_22 = arith.constant 0 : i32
      %dma_start3A_23 = arith.constant 0 : i32
      %dma_start3A_24 = tpu.memref_slice %arg2[%dma_start3A_22, %dma_start3A_23] : memref<10000x128xf32, #tpu.memory_space<hbm>> -> memref<10000x128xf32, #tpu.memory_space<hbm>>
      tpu.enqueue_indirect_dma source(%dma_start3A_24 : memref<10000x128xf32, #tpu.memory_space<hbm>>) target(%arg9 : memref<80x128xf32, #tpu.memory_space<vmem>>) offsets(%dma_start3A_21 : memref<80xi32, #tpu.memory_space<vmem>>) semaphore(%arg12 : memref<!tpu.dma_semaphore, #tpu.memory_space<semaphore_mem>>)
      %scan3A_25 = arith.constant 0 : i32
      %scan3A_26 = arith.constant 12 : i32
      %scan3A_27 = arith.addi %scan3A_25, %scan3A_26 : i32
      %scan3A_28 = arith.constant 1 : i32
      scf.for %scan3A_36 = %scan3A_25 to %scan3A_27 step %scan3A_28  : i32 {
        %mul3A_37 = arith.constant 1 : i32
        %mul3A_38 = arith.muli %scan3A_36, %mul3A_37 : i32
        %add3A_39 = arith.constant 0 : i32
        %add3A_40 = arith.addi %add3A_39, %mul3A_38 : i32
        %mul3A_41 = arith.constant 2 : i32
        %mul3A_42 = arith.muli %mul3A_41, %add3A_40 : i32
        %add3A_43 = arith.constant 1 : i32
        %add3A_44 = arith.addi %mul3A_42, %add3A_43 : i32
        %dma_start3A_45 = arith.constant 0 : i32
        %dma_start3A_46 = tpu.memref_slice %arg7[%add3A_44, %dma_start3A_45] : memref<25x80xi32, #tpu.memory_space<vmem>> -> memref<1x80xi32, #tpu.memory_space<vmem>>
        %dma_start3A_47 = tpu.memref_squeeze %dma_start3A_46 : memref<1x80xi32, #tpu.memory_space<vmem>> -> memref<80xi32, #tpu.memory_space<vmem>>
        %dma_start3A_48 = arith.constant 0 : i32
        %dma_start3A_49 = arith.constant 0 : i32
        %dma_start3A_50 = tpu.memref_slice %arg2[%dma_start3A_48, %dma_start3A_49] : memref<10000x128xf32, #tpu.memory_space<hbm>> -> memref<10000x128xf32, #tpu.memory_space<hbm>>
        tpu.enqueue_indirect_dma source(%dma_start3A_50 : memref<10000x128xf32, #tpu.memory_space<hbm>>) target(%arg10 : memref<80x128xf32, #tpu.memory_space<vmem>>) offsets(%dma_start3A_47 : memref<80xi32, #tpu.memory_space<vmem>>) semaphore(%arg13 : memref<!tpu.dma_semaphore, #tpu.memory_space<semaphore_mem>>)
        %dma_wait3A_51 = arith.constant 0 : i32
        %dma_wait3A_52 = tpu.memref_slice %arg7[%mul3A_42, %dma_wait3A_51] : memref<25x80xi32, #tpu.memory_space<vmem>> -> memref<1x80xi32, #tpu.memory_space<vmem>>
        %dma_wait3A_53 = tpu.memref_squeeze %dma_wait3A_52 : memref<1x80xi32, #tpu.memory_space<vmem>> -> memref<80xi32, #tpu.memory_space<vmem>>
        %dma_wait3A_54 = arith.constant 0 : i32
        %dma_wait3A_55 = arith.constant 0 : i32
        %dma_wait3A_56 = tpu.memref_slice %arg2[%dma_wait3A_54, %dma_wait3A_55] : memref<10000x128xf32, #tpu.memory_space<hbm>> -> memref<10000x128xf32, #tpu.memory_space<hbm>>
        tpu.wait_indirect_dma semaphore(%arg12 : memref<!tpu.dma_semaphore, #tpu.memory_space<semaphore_mem>>) src(%dma_wait3A_56 : memref<10000x128xf32, #tpu.memory_space<hbm>>) dst(%arg9 : memref<80x128xf32, #tpu.memory_space<vmem>>)
        "tpu.region"() ({
          %run_scoped3A_75 = tpu.sem_alloc : memref<!tpu.dma_semaphore, #tpu.memory_space<semaphore_mem>>
          %dma_start3A_76 = arith.constant 0 : i32
          %dma_start3A_77 = tpu.memref_slice %arg8[%mul3A_42, %dma_start3A_76] : memref<25x80xi32, #tpu.memory_space<vmem>> -> memref<1x80xi32, #tpu.memory_space<vmem>>
          %dma_start3A_78 = tpu.memref_squeeze %dma_start3A_77 : memref<1x80xi32, #tpu.memory_space<vmem>> -> memref<80xi32, #tpu.memory_space<vmem>>
          %dma_start3A_79 = arith.constant 0 : i32
          %dma_start3A_80 = arith.constant 0 : i32
          %dma_start3A_81 = tpu.memref_slice %arg11[%dma_start3A_79, %dma_start3A_80] : memref<10240x128xf32, #tpu.memory_space<vmem_shared>> -> memref<10240x128xf32, #tpu.memory_space<vmem_shared>>
          tpu.enqueue_indirect_dma source(%arg9 : memref<80x128xf32, #tpu.memory_space<vmem>>) target(%dma_start3A_81 : memref<10240x128xf32, #tpu.memory_space<vmem_shared>>) offsets(%dma_start3A_78 : memref<80xi32, #tpu.memory_space<vmem>>) semaphore(%run_scoped3A_75 : memref<!tpu.dma_semaphore, #tpu.memory_space<semaphore_mem>>) {add = true}
          %dma_wait3A_82 = arith.constant 0 : i32
          %dma_wait3A_83 = tpu.memref_slice %arg8[%mul3A_42, %dma_wait3A_82] : memref<25x80xi32, #tpu.memory_space<vmem>> -> memref<1x80xi32, #tpu.memory_space<vmem>>
          %dma_wait3A_84 = tpu.memref_squeeze %dma_wait3A_83 : memref<1x80xi32, #tpu.memory_space<vmem>> -> memref<80xi32, #tpu.memory_space<vmem>>
          %dma_wait3A_85 = arith.constant 0 : i32
          %dma_wait3A_86 = arith.constant 0 : i32
          %dma_wait3A_87 = tpu.memref_slice %arg11[%dma_wait3A_85, %dma_wait3A_86] : memref<10240x128xf32, #tpu.memory_space<vmem_shared>> -> memref<10240x128xf32, #tpu.memory_space<vmem_shared>>
          tpu.wait_indirect_dma semaphore(%run_scoped3A_75 : memref<!tpu.dma_semaphore, #tpu.memory_space<semaphore_mem>>) src(%arg9 : memref<80x128xf32, #tpu.memory_space<vmem>>) dst(%dma_wait3A_87 : memref<10240x128xf32, #tpu.memory_space<vmem_shared>>)
          tpu.yield
        }) : () -> ()
        %add3A_57 = arith.constant 2 : i32
        %add3A_58 = arith.addi %mul3A_42, %add3A_57 : i32
        %dma_start3A_59 = arith.constant 0 : i32
        %dma_start3A_60 = tpu.memref_slice %arg7[%add3A_58, %dma_start3A_59] : memref<25x80xi32, #tpu.memory_space<vmem>> -> memref<1x80xi32, #tpu.memory_space<vmem>>
        %dma_start3A_61 = tpu.memref_squeeze %dma_start3A_60 : memref<1x80xi32, #tpu.memory_space<vmem>> -> memref<80xi32, #tpu.memory_space<vmem>>
        %dma_start3A_62 = arith.constant 0 : i32
        %dma_start3A_63 = arith.constant 0 : i32
        %dma_start3A_64 = tpu.memref_slice %arg2[%dma_start3A_62, %dma_start3A_63] : memref<10000x128xf32, #tpu.memory_space<hbm>> -> memref<10000x128xf32, #tpu.memory_space<hbm>>
        tpu.enqueue_indirect_dma source(%dma_start3A_64 : memref<10000x128xf32, #tpu.memory_space<hbm>>) target(%arg9 : memref<80x128xf32, #tpu.memory_space<vmem>>) offsets(%dma_start3A_61 : memref<80xi32, #tpu.memory_space<vmem>>) semaphore(%arg12 : memref<!tpu.dma_semaphore, #tpu.memory_space<semaphore_mem>>)
        %add3A_65 = arith.constant 1 : i32
        %add3A_66 = arith.addi %mul3A_42, %add3A_65 : i32
        %dma_wait3A_67 = arith.constant 0 : i32
        %dma_wait3A_68 = tpu.memref_slice %arg7[%add3A_66, %dma_wait3A_67] : memref<25x80xi32, #tpu.memory_space<vmem>> -> memref<1x80xi32, #tpu.memory_space<vmem>>
        %dma_wait3A_69 = tpu.memref_squeeze %dma_wait3A_68 : memref<1x80xi32, #tpu.memory_space<vmem>> -> memref<80xi32, #tpu.memory_space<vmem>>
        %dma_wait3A_70 = arith.constant 0 : i32
        %dma_wait3A_71 = arith.constant 0 : i32
        %dma_wait3A_72 = tpu.memref_slice %arg2[%dma_wait3A_70, %dma_wait3A_71] : memref<10000x128xf32, #tpu.memory_space<hbm>> -> memref<10000x128xf32, #tpu.memory_space<hbm>>
        tpu.wait_indirect_dma semaphore(%arg13 : memref<!tpu.dma_semaphore, #tpu.memory_space<semaphore_mem>>) src(%dma_wait3A_72 : memref<10000x128xf32, #tpu.memory_space<hbm>>) dst(%arg10 : memref<80x128xf32, #tpu.memory_space<vmem>>)
        %add3A_73 = arith.constant 1 : i32
        %add3A_74 = arith.addi %mul3A_42, %add3A_73 : i32
        "tpu.region"() ({
          %run_scoped3A_75 = tpu.sem_alloc : memref<!tpu.dma_semaphore, #tpu.memory_space<semaphore_mem>>
          %dma_start3A_76 = arith.constant 0 : i32
          %dma_start3A_77 = tpu.memref_slice %arg8[%add3A_74, %dma_start3A_76] : memref<25x80xi32, #tpu.memory_space<vmem>> -> memref<1x80xi32, #tpu.memory_space<vmem>>
          %dma_start3A_78 = tpu.memref_squeeze %dma_start3A_77 : memref<1x80xi32, #tpu.memory_space<vmem>> -> memref<80xi32, #tpu.memory_space<vmem>>
          %dma_start3A_79 = arith.constant 0 : i32
          %dma_start3A_80 = arith.constant 0 : i32
          %dma_start3A_81 = tpu.memref_slice %arg11[%dma_start3A_79, %dma_start3A_80] : memref<10240x128xf32, #tpu.memory_space<vmem_shared>> -> memref<10240x128xf32, #tpu.memory_space<vmem_shared>>
          tpu.enqueue_indirect_dma source(%arg10 : memref<80x128xf32, #tpu.memory_space<vmem>>) target(%dma_start3A_81 : memref<10240x128xf32, #tpu.memory_space<vmem_shared>>) offsets(%dma_start3A_78 : memref<80xi32, #tpu.memory_space<vmem>>) semaphore(%run_scoped3A_75 : memref<!tpu.dma_semaphore, #tpu.memory_space<semaphore_mem>>) {add = true}
          %dma_wait3A_82 = arith.constant 0 : i32
          %dma_wait3A_83 = tpu.memref_slice %arg8[%add3A_74, %dma_wait3A_82] : memref<25x80xi32, #tpu.memory_space<vmem>> -> memref<1x80xi32, #tpu.memory_space<vmem>>
          %dma_wait3A_84 = tpu.memref_squeeze %dma_wait3A_83 : memref<1x80xi32, #tpu.memory_space<vmem>> -> memref<80xi32, #tpu.memory_space<vmem>>
          %dma_wait3A_85 = arith.constant 0 : i32
          %dma_wait3A_86 = arith.constant 0 : i32
          %dma_wait3A_87 = tpu.memref_slice %arg11[%dma_wait3A_85, %dma_wait3A_86] : memref<10240x128xf32, #tpu.memory_space<vmem_shared>> -> memref<10240x128xf32, #tpu.memory_space<vmem_shared>>
          tpu.wait_indirect_dma semaphore(%run_scoped3A_75 : memref<!tpu.dma_semaphore, #tpu.memory_space<semaphore_mem>>) src(%arg10 : memref<80x128xf32, #tpu.memory_space<vmem>>) dst(%dma_wait3A_87 : memref<10240x128xf32, #tpu.memory_space<vmem_shared>>)
          tpu.yield
        }) : () -> ()
      }
      %scan3A_29 = arith.constant 12 : i32
      %dma_wait3A = arith.constant 24 : i32
      %dma_wait3A_30 = arith.constant 0 : i32
      %dma_wait3A_31 = tpu.memref_slice %arg7[%dma_wait3A, %dma_wait3A_30] : memref<25x80xi32, #tpu.memory_space<vmem>> -> memref<1x80xi32, #tpu.memory_space<vmem>>
      %dma_wait3A_32 = tpu.memref_squeeze %dma_wait3A_31 : memref<1x80xi32, #tpu.memory_space<vmem>> -> memref<80xi32, #tpu.memory_space<vmem>>
      %dma_wait3A_33 = arith.constant 0 : i32
      %dma_wait3A_34 = arith.constant 0 : i32
      %dma_wait3A_35 = tpu.memref_slice %arg2[%dma_wait3A_33, %dma_wait3A_34] : memref<10000x128xf32, #tpu.memory_space<hbm>> -> memref<10000x128xf32, #tpu.memory_space<hbm>>
      tpu.wait_indirect_dma semaphore(%arg12 : memref<!tpu.dma_semaphore, #tpu.memory_space<semaphore_mem>>) src(%dma_wait3A_35 : memref<10000x128xf32, #tpu.memory_space<hbm>>) dst(%arg9 : memref<80x128xf32, #tpu.memory_space<vmem>>)
      %run_scoped3A = arith.constant 24 : i32
      "tpu.region"() ({
        %run_scoped3A_36 = tpu.sem_alloc : memref<!tpu.dma_semaphore, #tpu.memory_space<semaphore_mem>>
        %dma_start3A_37 = arith.constant 0 : i32
        %dma_start3A_38 = tpu.memref_slice %arg8[%run_scoped3A, %dma_start3A_37] : memref<25x80xi32, #tpu.memory_space<vmem>> -> memref<1x80xi32, #tpu.memory_space<vmem>>
        %dma_start3A_39 = tpu.memref_squeeze %dma_start3A_38 : memref<1x80xi32, #tpu.memory_space<vmem>> -> memref<80xi32, #tpu.memory_space<vmem>>
        %dma_start3A_40 = arith.constant 0 : i32
        %dma_start3A_41 = arith.constant 0 : i32
        %dma_start3A_42 = tpu.memref_slice %arg11[%dma_start3A_40, %dma_start3A_41] : memref<10240x128xf32, #tpu.memory_space<vmem_shared>> -> memref<10240x128xf32, #tpu.memory_space<vmem_shared>>
        tpu.enqueue_indirect_dma source(%arg9 : memref<80x128xf32, #tpu.memory_space<vmem>>) target(%dma_start3A_42 : memref<10240x128xf32, #tpu.memory_space<vmem_shared>>) offsets(%dma_start3A_39 : memref<80xi32, #tpu.memory_space<vmem>>) semaphore(%run_scoped3A_36 : memref<!tpu.dma_semaphore, #tpu.memory_space<semaphore_mem>>) {add = true}
        %dma_wait3A_43 = arith.constant 0 : i32
        %dma_wait3A_44 = tpu.memref_slice %arg8[%run_scoped3A, %dma_wait3A_43] : memref<25x80xi32, #tpu.memory_space<vmem>> -> memref<1x80xi32, #tpu.memory_space<vmem>>
        %dma_wait3A_45 = tpu.memref_squeeze %dma_wait3A_44 : memref<1x80xi32, #tpu.memory_space<vmem>> -> memref<80xi32, #tpu.memory_space<vmem>>
        %dma_wait3A_46 = arith.constant 0 : i32
        %dma_wait3A_47 = arith.constant 0 : i32
        %dma_wait3A_48 = tpu.memref_slice %arg11[%dma_wait3A_46, %dma_wait3A_47] : memref<10240x128xf32, #tpu.memory_space<vmem_shared>> -> memref<10240x128xf32, #tpu.memory_space<vmem_shared>>
        tpu.wait_indirect_dma semaphore(%run_scoped3A_36 : memref<!tpu.dma_semaphore, #tpu.memory_space<semaphore_mem>>) src(%arg9 : memref<80x128xf32, #tpu.memory_space<vmem>>) dst(%dma_wait3A_48 : memref<10240x128xf32, #tpu.memory_space<vmem_shared>>)
        tpu.yield
      }) : () -> ()
    }
    %scan3A_8 = arith.constant 5 : i32
    %barrier3A_9 = arith.constant 0 : index
    tpu.barrier barrier_id(%barrier3A_9)
    %mul3A_10 = arith.constant 640 : i32
    %mul3A_11 = arith.muli %arg1, %mul3A_10 : i32
    %mul3A_12 = arith.constant 640 : i32
    %mul3A_13 = arith.muli %arg1, %mul3A_12 : i32
    "tpu.region"() ({
      %run_scoped3A = tpu.sem_alloc : memref<!tpu.dma_semaphore, #tpu.memory_space<semaphore_mem>>
      %dma_start3A = arith.constant 0 : i32
      %dma_start3A_14 = tpu.memref_slice %arg6[%arg0, %mul3A_13, %dma_start3A] : memref<2x10240x128xf32, #tpu.memory_space<hbm>> -> memref<1x640x128xf32, #tpu.memory_space<hbm>>
      %dma_start3A_15 = tpu.memref_squeeze %dma_start3A_14 : memref<1x640x128xf32, #tpu.memory_space<hbm>> -> memref<640x128xf32, #tpu.memory_space<hbm>>
      %dma_start3A_16 = arith.constant 0 : i32
      %dma_start3A_17 = tpu.memref_slice %arg11[%mul3A_11, %dma_start3A_16] : memref<10240x128xf32, #tpu.memory_space<vmem_shared>> -> memref<640x128xf32, #tpu.memory_space<vmem_shared>>
      tpu.enqueue_dma source(%dma_start3A_17 : memref<640x128xf32, #tpu.memory_space<vmem_shared>>) target(%dma_start3A_15 : memref<640x128xf32, #tpu.memory_space<hbm>>) target_semaphore(%run_scoped3A : memref<!tpu.dma_semaphore, #tpu.memory_space<semaphore_mem>>)
      %dma_wait3A = arith.constant 0 : i32
      %dma_wait3A_18 = tpu.memref_slice %arg6[%arg0, %mul3A_13, %dma_wait3A] : memref<2x10240x128xf32, #tpu.memory_space<hbm>> -> memref<1x640x128xf32, #tpu.memory_space<hbm>>
      %dma_wait3A_19 = tpu.memref_squeeze %dma_wait3A_18 : memref<1x640x128xf32, #tpu.memory_space<hbm>> -> memref<640x128xf32, #tpu.memory_space<hbm>>
      %dma_wait3A_20 = arith.constant 0 : i32
      %dma_wait3A_21 = tpu.memref_slice %arg11[%mul3A_11, %dma_wait3A_20] : memref<10240x128xf32, #tpu.memory_space<vmem_shared>> -> memref<640x128xf32, #tpu.memory_space<vmem_shared>>
      tpu.wait_dma2 semaphore(%run_scoped3A : memref<!tpu.dma_semaphore, #tpu.memory_space<semaphore_mem>>) src(%dma_wait3A_21 : memref<640x128xf32, #tpu.memory_space<vmem_shared>>) dst(%dma_wait3A_19 : memref<640x128xf32, #tpu.memory_space<hbm>>)
      tpu.yield
    }) : () -> ()
    return
  }
}

#map = affine_map<(d0, d1) -> (0, 0)>
#map1 = affine_map<(d0, d1) -> (0, 0, 0, 0)>
#map2 = affine_map<(d0, d1) -> (0, 0, 0)>
module attributes {stable_mosaic.version = 14 : i64} {
  func.func @_sc_agg(%arg0: i32, %arg1: i32, %arg2: memref<10000x128xf32, #tpu.memory_space<hbm>>, %arg3: memref<32x5x25x80xi32, #tpu.memory_space<hbm>>, %arg4: memref<32x5x25x80xi32, #tpu.memory_space<hbm>>, %arg5: memref<10240x128xf32, #tpu.memory_space<hbm>>, %arg6: memref<2x10240x128xf32, #tpu.memory_space<hbm>>, %arg7: memref<25x80xi32, #tpu.memory_space<vmem>>, %arg8: memref<25x80xi32, #tpu.memory_space<vmem>>, %arg9: memref<80x128xf32, #tpu.memory_space<vmem>>, %arg10: memref<80x128xf32, #tpu.memory_space<vmem>>, %arg11: memref<10240x128xf32, #tpu.memory_space<vmem_shared>>, %arg12: memref<!tpu.dma_semaphore, #tpu.memory_space<semaphore_mem>>, %arg13: memref<!tpu.dma_semaphore, #tpu.memory_space<semaphore_mem>>) attributes {dimension_semantics = [#tpu.dimension_semantics<core_parallel>, #tpu.dimension_semantics<subcore_parallel>], iteration_bounds = array<i64: 2, 16>, scalar_prefetch = 0 : i64, scratch_operands = 7 : i64, tpu.core_type = #tpu.core_type<sc_vector_subcore>, window_params = [{transform_indices = #map}, {transform_indices = #map1}, {transform_indices = #map1}, {transform_indices = #map}, {transform_indices = #map2}]} {
    %mul3A = arith.constant 2 : i32
    %mul3A_0 = arith.muli %arg1, %mul3A : i32
    %add3A = arith.addi %mul3A_0, %arg0 : i32
    %mul3A_1 = arith.constant 640 : i32
    %mul3A_2 = arith.muli %arg1, %mul3A_1 : i32
    %mul3A_3 = arith.constant 640 : i32
    %mul3A_4 = arith.muli %arg1, %mul3A_3 : i32
    "tpu.region"() ({
      %run_scoped3A = tpu.sem_alloc : memref<!tpu.dma_semaphore, #tpu.memory_space<semaphore_mem>>
      %dma_start3A = arith.constant 0 : i32
      %dma_start3A_14 = tpu.memref_slice %arg11[%mul3A_4, %dma_start3A] : memref<10240x128xf32, #tpu.memory_space<vmem_shared>> -> memref<640x128xf32, #tpu.memory_space<vmem_shared>>
      %dma_start3A_15 = arith.constant 0 : i32
      %dma_start3A_16 = tpu.memref_slice %arg5[%mul3A_2, %dma_start3A_15] : memref<10240x128xf32, #tpu.memory_space<hbm>> -> memref<640x128xf32, #tpu.memory_space<hbm>>
      tpu.enqueue_dma source(%dma_start3A_16 : memref<640x128xf32, #tpu.memory_space<hbm>>) target(%dma_start3A_14 : memref<640x128xf32, #tpu.memory_space<vmem_shared>>) target_semaphore(%run_scoped3A : memref<!tpu.dma_semaphore, #tpu.memory_space<semaphore_mem>>)
      %dma_wait3A = arith.constant 0 : i32
      %dma_wait3A_17 = tpu.memref_slice %arg11[%mul3A_4, %dma_wait3A] : memref<10240x128xf32, #tpu.memory_space<vmem_shared>> -> memref<640x128xf32, #tpu.memory_space<vmem_shared>>
      %dma_wait3A_18 = arith.constant 0 : i32
      %dma_wait3A_19 = tpu.memref_slice %arg5[%mul3A_2, %dma_wait3A_18] : memref<10240x128xf32, #tpu.memory_space<hbm>> -> memref<640x128xf32, #tpu.memory_space<hbm>>
      tpu.wait_dma2 semaphore(%run_scoped3A : memref<!tpu.dma_semaphore, #tpu.memory_space<semaphore_mem>>) src(%dma_wait3A_19 : memref<640x128xf32, #tpu.memory_space<hbm>>) dst(%dma_wait3A_17 : memref<640x128xf32, #tpu.memory_space<vmem_shared>>)
      tpu.yield
    }) : () -> ()
    %barrier3A = arith.constant 0 : index
    tpu.barrier barrier_id(%barrier3A)
    %scan3A = arith.constant 0 : i32
    %scan3A_5 = arith.constant 5 : i32
    %scan3A_6 = arith.addi %scan3A, %scan3A_5 : i32
    %scan3A_7 = arith.constant 1 : i32
    scf.for %scan3A_14 = %scan3A to %scan3A_6 step %scan3A_7  : i32 {
      %mul3A_15 = arith.constant 1 : i32
      %mul3A_16 = arith.muli %scan3A_14, %mul3A_15 : i32
      %add3A_17 = arith.constant 0 : i32
      %add3A_18 = arith.addi %add3A_17, %mul3A_16 : i32
      "tpu.region"() ({
        %run_scoped3A_36 = tpu.sem_alloc : memref<!tpu.dma_semaphore, #tpu.memory_space<semaphore_mem>>
        %dma_start3A_37 = arith.constant 0 : i32
        %dma_start3A_38 = arith.constant 0 : i32
        %dma_start3A_39 = tpu.memref_slice %arg3[%add3A, %add3A_18, %dma_start3A_37, %dma_start3A_38] : memref<32x5x25x80xi32, #tpu.memory_space<hbm>> -> memref<1x1x25x80xi32, #tpu.memory_space<hbm>>
        %dma_start3A_40 = tpu.memref_squeeze %dma_start3A_39 : memref<1x1x25x80xi32, #tpu.memory_space<hbm>> -> memref<25x80xi32, #tpu.memory_space<hbm>>
        %dma_start3A_41 = arith.constant 0 : i32
        %dma_start3A_42 = arith.constant 0 : i32
        %dma_start3A_43 = tpu.memref_slice %arg3[%add3A, %add3A_18, %dma_start3A_41, %dma_start3A_42] : memref<32x5x25x80xi32, #tpu.memory_space<hbm>> -> memref<1x1x25x80xi32, #tpu.memory_space<hbm>>
        %dma_start3A_44 = tpu.memref_squeeze %dma_start3A_43 : memref<1x1x25x80xi32, #tpu.memory_space<hbm>> -> memref<25x80xi32, #tpu.memory_space<hbm>>
        tpu.enqueue_dma source(%dma_start3A_44 : memref<25x80xi32, #tpu.memory_space<hbm>>) target(%arg7 : memref<25x80xi32, #tpu.memory_space<vmem>>) target_semaphore(%run_scoped3A_36 : memref<!tpu.dma_semaphore, #tpu.memory_space<semaphore_mem>>)
        %dma_wait3A_45 = arith.constant 0 : i32
        %dma_wait3A_46 = arith.constant 0 : i32
        %dma_wait3A_47 = tpu.memref_slice %arg3[%add3A, %add3A_18, %dma_wait3A_45, %dma_wait3A_46] : memref<32x5x25x80xi32, #tpu.memory_space<hbm>> -> memref<1x1x25x80xi32, #tpu.memory_space<hbm>>
        %dma_wait3A_48 = tpu.memref_squeeze %dma_wait3A_47 : memref<1x1x25x80xi32, #tpu.memory_space<hbm>> -> memref<25x80xi32, #tpu.memory_space<hbm>>
        %dma_wait3A_49 = arith.constant 0 : i32
        %dma_wait3A_50 = arith.constant 0 : i32
        %dma_wait3A_51 = tpu.memref_slice %arg3[%add3A, %add3A_18, %dma_wait3A_49, %dma_wait3A_50] : memref<32x5x25x80xi32, #tpu.memory_space<hbm>> -> memref<1x1x25x80xi32, #tpu.memory_space<hbm>>
        %dma_wait3A_52 = tpu.memref_squeeze %dma_wait3A_51 : memref<1x1x25x80xi32, #tpu.memory_space<hbm>> -> memref<25x80xi32, #tpu.memory_space<hbm>>
        tpu.wait_dma2 semaphore(%run_scoped3A_36 : memref<!tpu.dma_semaphore, #tpu.memory_space<semaphore_mem>>) src(%dma_wait3A_52 : memref<25x80xi32, #tpu.memory_space<hbm>>) dst(%arg7 : memref<25x80xi32, #tpu.memory_space<vmem>>)
        tpu.yield
      }) : () -> ()
      "tpu.region"() ({
        %run_scoped3A_36 = tpu.sem_alloc : memref<!tpu.dma_semaphore, #tpu.memory_space<semaphore_mem>>
        %dma_start3A_37 = arith.constant 0 : i32
        %dma_start3A_38 = arith.constant 0 : i32
        %dma_start3A_39 = tpu.memref_slice %arg4[%add3A, %add3A_18, %dma_start3A_37, %dma_start3A_38] : memref<32x5x25x80xi32, #tpu.memory_space<hbm>> -> memref<1x1x25x80xi32, #tpu.memory_space<hbm>>
        %dma_start3A_40 = tpu.memref_squeeze %dma_start3A_39 : memref<1x1x25x80xi32, #tpu.memory_space<hbm>> -> memref<25x80xi32, #tpu.memory_space<hbm>>
        %dma_start3A_41 = arith.constant 0 : i32
        %dma_start3A_42 = arith.constant 0 : i32
        %dma_start3A_43 = tpu.memref_slice %arg4[%add3A, %add3A_18, %dma_start3A_41, %dma_start3A_42] : memref<32x5x25x80xi32, #tpu.memory_space<hbm>> -> memref<1x1x25x80xi32, #tpu.memory_space<hbm>>
        %dma_start3A_44 = tpu.memref_squeeze %dma_start3A_43 : memref<1x1x25x80xi32, #tpu.memory_space<hbm>> -> memref<25x80xi32, #tpu.memory_space<hbm>>
        tpu.enqueue_dma source(%dma_start3A_44 : memref<25x80xi32, #tpu.memory_space<hbm>>) target(%arg8 : memref<25x80xi32, #tpu.memory_space<vmem>>) target_semaphore(%run_scoped3A_36 : memref<!tpu.dma_semaphore, #tpu.memory_space<semaphore_mem>>)
        %dma_wait3A_45 = arith.constant 0 : i32
        %dma_wait3A_46 = arith.constant 0 : i32
        %dma_wait3A_47 = tpu.memref_slice %arg4[%add3A, %add3A_18, %dma_wait3A_45, %dma_wait3A_46] : memref<32x5x25x80xi32, #tpu.memory_space<hbm>> -> memref<1x1x25x80xi32, #tpu.memory_space<hbm>>
        %dma_wait3A_48 = tpu.memref_squeeze %dma_wait3A_47 : memref<1x1x25x80xi32, #tpu.memory_space<hbm>> -> memref<25x80xi32, #tpu.memory_space<hbm>>
        %dma_wait3A_49 = arith.constant 0 : i32
        %dma_wait3A_50 = arith.constant 0 : i32
        %dma_wait3A_51 = tpu.memref_slice %arg4[%add3A, %add3A_18, %dma_wait3A_49, %dma_wait3A_50] : memref<32x5x25x80xi32, #tpu.memory_space<hbm>> -> memref<1x1x25x80xi32, #tpu.memory_space<hbm>>
        %dma_wait3A_52 = tpu.memref_squeeze %dma_wait3A_51 : memref<1x1x25x80xi32, #tpu.memory_space<hbm>> -> memref<25x80xi32, #tpu.memory_space<hbm>>
        tpu.wait_dma2 semaphore(%run_scoped3A_36 : memref<!tpu.dma_semaphore, #tpu.memory_space<semaphore_mem>>) src(%dma_wait3A_52 : memref<25x80xi32, #tpu.memory_space<hbm>>) dst(%arg8 : memref<25x80xi32, #tpu.memory_space<vmem>>)
        tpu.yield
      }) : () -> ()
      %dma_start3A = arith.constant 0 : i32
      %dma_start3A_19 = arith.constant 0 : i32
      %dma_start3A_20 = tpu.memref_slice %arg7[%dma_start3A, %dma_start3A_19] : memref<25x80xi32, #tpu.memory_space<vmem>> -> memref<1x80xi32, #tpu.memory_space<vmem>>
      %dma_start3A_21 = tpu.memref_squeeze %dma_start3A_20 : memref<1x80xi32, #tpu.memory_space<vmem>> -> memref<80xi32, #tpu.memory_space<vmem>>
      %dma_start3A_22 = arith.constant 0 : i32
      %dma_start3A_23 = arith.constant 0 : i32
      %dma_start3A_24 = tpu.memref_slice %arg2[%dma_start3A_22, %dma_start3A_23] : memref<10000x128xf32, #tpu.memory_space<hbm>> -> memref<10000x128xf32, #tpu.memory_space<hbm>>
      tpu.enqueue_indirect_dma source(%dma_start3A_24 : memref<10000x128xf32, #tpu.memory_space<hbm>>) target(%arg9 : memref<80x128xf32, #tpu.memory_space<vmem>>) offsets(%dma_start3A_21 : memref<80xi32, #tpu.memory_space<vmem>>) semaphore(%arg12 : memref<!tpu.dma_semaphore, #tpu.memory_space<semaphore_mem>>)
      %scan3A_25 = arith.constant 0 : i32
      %scan3A_26 = arith.constant 12 : i32
      %scan3A_27 = arith.addi %scan3A_25, %scan3A_26 : i32
      %scan3A_28 = arith.constant 1 : i32
      scf.for %scan3A_36 = %scan3A_25 to %scan3A_27 step %scan3A_28  : i32 {
        %mul3A_37 = arith.constant 1 : i32
        %mul3A_38 = arith.muli %scan3A_36, %mul3A_37 : i32
        %add3A_39 = arith.constant 0 : i32
        %add3A_40 = arith.addi %add3A_39, %mul3A_38 : i32
        %mul3A_41 = arith.constant 2 : i32
        %mul3A_42 = arith.muli %mul3A_41, %add3A_40 : i32
        %add3A_43 = arith.constant 1 : i32
        %add3A_44 = arith.addi %mul3A_42, %add3A_43 : i32
        %dma_start3A_45 = arith.constant 0 : i32
        %dma_start3A_46 = tpu.memref_slice %arg7[%add3A_44, %dma_start3A_45] : memref<25x80xi32, #tpu.memory_space<vmem>> -> memref<1x80xi32, #tpu.memory_space<vmem>>
        %dma_start3A_47 = tpu.memref_squeeze %dma_start3A_46 : memref<1x80xi32, #tpu.memory_space<vmem>> -> memref<80xi32, #tpu.memory_space<vmem>>
        %dma_start3A_48 = arith.constant 0 : i32
        %dma_start3A_49 = arith.constant 0 : i32
        %dma_start3A_50 = tpu.memref_slice %arg2[%dma_start3A_48, %dma_start3A_49] : memref<10000x128xf32, #tpu.memory_space<hbm>> -> memref<10000x128xf32, #tpu.memory_space<hbm>>
        tpu.enqueue_indirect_dma source(%dma_start3A_50 : memref<10000x128xf32, #tpu.memory_space<hbm>>) target(%arg10 : memref<80x128xf32, #tpu.memory_space<vmem>>) offsets(%dma_start3A_47 : memref<80xi32, #tpu.memory_space<vmem>>) semaphore(%arg13 : memref<!tpu.dma_semaphore, #tpu.memory_space<semaphore_mem>>)
        %dma_wait3A_51 = arith.constant 0 : i32
        %dma_wait3A_52 = tpu.memref_slice %arg7[%mul3A_42, %dma_wait3A_51] : memref<25x80xi32, #tpu.memory_space<vmem>> -> memref<1x80xi32, #tpu.memory_space<vmem>>
        %dma_wait3A_53 = tpu.memref_squeeze %dma_wait3A_52 : memref<1x80xi32, #tpu.memory_space<vmem>> -> memref<80xi32, #tpu.memory_space<vmem>>
        %dma_wait3A_54 = arith.constant 0 : i32
        %dma_wait3A_55 = arith.constant 0 : i32
        %dma_wait3A_56 = tpu.memref_slice %arg2[%dma_wait3A_54, %dma_wait3A_55] : memref<10000x128xf32, #tpu.memory_space<hbm>> -> memref<10000x128xf32, #tpu.memory_space<hbm>>
        tpu.wait_indirect_dma semaphore(%arg12 : memref<!tpu.dma_semaphore, #tpu.memory_space<semaphore_mem>>) src(%dma_wait3A_56 : memref<10000x128xf32, #tpu.memory_space<hbm>>) dst(%arg9 : memref<80x128xf32, #tpu.memory_space<vmem>>)
        "tpu.region"() ({
          %run_scoped3A_75 = tpu.sem_alloc : memref<!tpu.dma_semaphore, #tpu.memory_space<semaphore_mem>>
          %dma_start3A_76 = arith.constant 0 : i32
          %dma_start3A_77 = tpu.memref_slice %arg8[%mul3A_42, %dma_start3A_76] : memref<25x80xi32, #tpu.memory_space<vmem>> -> memref<1x80xi32, #tpu.memory_space<vmem>>
          %dma_start3A_78 = tpu.memref_squeeze %dma_start3A_77 : memref<1x80xi32, #tpu.memory_space<vmem>> -> memref<80xi32, #tpu.memory_space<vmem>>
          %dma_start3A_79 = arith.constant 0 : i32
          %dma_start3A_80 = arith.constant 0 : i32
          %dma_start3A_81 = tpu.memref_slice %arg11[%dma_start3A_79, %dma_start3A_80] : memref<10240x128xf32, #tpu.memory_space<vmem_shared>> -> memref<10240x128xf32, #tpu.memory_space<vmem_shared>>
          tpu.enqueue_indirect_dma source(%arg9 : memref<80x128xf32, #tpu.memory_space<vmem>>) target(%dma_start3A_81 : memref<10240x128xf32, #tpu.memory_space<vmem_shared>>) offsets(%dma_start3A_78 : memref<80xi32, #tpu.memory_space<vmem>>) semaphore(%run_scoped3A_75 : memref<!tpu.dma_semaphore, #tpu.memory_space<semaphore_mem>>) {add = true}
          %dma_wait3A_82 = arith.constant 0 : i32
          %dma_wait3A_83 = tpu.memref_slice %arg8[%mul3A_42, %dma_wait3A_82] : memref<25x80xi32, #tpu.memory_space<vmem>> -> memref<1x80xi32, #tpu.memory_space<vmem>>
          %dma_wait3A_84 = tpu.memref_squeeze %dma_wait3A_83 : memref<1x80xi32, #tpu.memory_space<vmem>> -> memref<80xi32, #tpu.memory_space<vmem>>
          %dma_wait3A_85 = arith.constant 0 : i32
          %dma_wait3A_86 = arith.constant 0 : i32
          %dma_wait3A_87 = tpu.memref_slice %arg11[%dma_wait3A_85, %dma_wait3A_86] : memref<10240x128xf32, #tpu.memory_space<vmem_shared>> -> memref<10240x128xf32, #tpu.memory_space<vmem_shared>>
          tpu.wait_indirect_dma semaphore(%run_scoped3A_75 : memref<!tpu.dma_semaphore, #tpu.memory_space<semaphore_mem>>) src(%arg9 : memref<80x128xf32, #tpu.memory_space<vmem>>) dst(%dma_wait3A_87 : memref<10240x128xf32, #tpu.memory_space<vmem_shared>>)
          tpu.yield
        }) : () -> ()
        %add3A_57 = arith.constant 2 : i32
        %add3A_58 = arith.addi %mul3A_42, %add3A_57 : i32
        %dma_start3A_59 = arith.constant 0 : i32
        %dma_start3A_60 = tpu.memref_slice %arg7[%add3A_58, %dma_start3A_59] : memref<25x80xi32, #tpu.memory_space<vmem>> -> memref<1x80xi32, #tpu.memory_space<vmem>>
        %dma_start3A_61 = tpu.memref_squeeze %dma_start3A_60 : memref<1x80xi32, #tpu.memory_space<vmem>> -> memref<80xi32, #tpu.memory_space<vmem>>
        %dma_start3A_62 = arith.constant 0 : i32
        %dma_start3A_63 = arith.constant 0 : i32
        %dma_start3A_64 = tpu.memref_slice %arg2[%dma_start3A_62, %dma_start3A_63] : memref<10000x128xf32, #tpu.memory_space<hbm>> -> memref<10000x128xf32, #tpu.memory_space<hbm>>
        tpu.enqueue_indirect_dma source(%dma_start3A_64 : memref<10000x128xf32, #tpu.memory_space<hbm>>) target(%arg9 : memref<80x128xf32, #tpu.memory_space<vmem>>) offsets(%dma_start3A_61 : memref<80xi32, #tpu.memory_space<vmem>>) semaphore(%arg12 : memref<!tpu.dma_semaphore, #tpu.memory_space<semaphore_mem>>)
        %add3A_65 = arith.constant 1 : i32
        %add3A_66 = arith.addi %mul3A_42, %add3A_65 : i32
        %dma_wait3A_67 = arith.constant 0 : i32
        %dma_wait3A_68 = tpu.memref_slice %arg7[%add3A_66, %dma_wait3A_67] : memref<25x80xi32, #tpu.memory_space<vmem>> -> memref<1x80xi32, #tpu.memory_space<vmem>>
        %dma_wait3A_69 = tpu.memref_squeeze %dma_wait3A_68 : memref<1x80xi32, #tpu.memory_space<vmem>> -> memref<80xi32, #tpu.memory_space<vmem>>
        %dma_wait3A_70 = arith.constant 0 : i32
        %dma_wait3A_71 = arith.constant 0 : i32
        %dma_wait3A_72 = tpu.memref_slice %arg2[%dma_wait3A_70, %dma_wait3A_71] : memref<10000x128xf32, #tpu.memory_space<hbm>> -> memref<10000x128xf32, #tpu.memory_space<hbm>>
        tpu.wait_indirect_dma semaphore(%arg13 : memref<!tpu.dma_semaphore, #tpu.memory_space<semaphore_mem>>) src(%dma_wait3A_72 : memref<10000x128xf32, #tpu.memory_space<hbm>>) dst(%arg10 : memref<80x128xf32, #tpu.memory_space<vmem>>)
        %add3A_73 = arith.constant 1 : i32
        %add3A_74 = arith.addi %mul3A_42, %add3A_73 : i32
        "tpu.region"() ({
          %run_scoped3A_75 = tpu.sem_alloc : memref<!tpu.dma_semaphore, #tpu.memory_space<semaphore_mem>>
          %dma_start3A_76 = arith.constant 0 : i32
          %dma_start3A_77 = tpu.memref_slice %arg8[%add3A_74, %dma_start3A_76] : memref<25x80xi32, #tpu.memory_space<vmem>> -> memref<1x80xi32, #tpu.memory_space<vmem>>
          %dma_start3A_78 = tpu.memref_squeeze %dma_start3A_77 : memref<1x80xi32, #tpu.memory_space<vmem>> -> memref<80xi32, #tpu.memory_space<vmem>>
          %dma_start3A_79 = arith.constant 0 : i32
          %dma_start3A_80 = arith.constant 0 : i32
          %dma_start3A_81 = tpu.memref_slice %arg11[%dma_start3A_79, %dma_start3A_80] : memref<10240x128xf32, #tpu.memory_space<vmem_shared>> -> memref<10240x128xf32, #tpu.memory_space<vmem_shared>>
          tpu.enqueue_indirect_dma source(%arg10 : memref<80x128xf32, #tpu.memory_space<vmem>>) target(%dma_start3A_81 : memref<10240x128xf32, #tpu.memory_space<vmem_shared>>) offsets(%dma_start3A_78 : memref<80xi32, #tpu.memory_space<vmem>>) semaphore(%run_scoped3A_75 : memref<!tpu.dma_semaphore, #tpu.memory_space<semaphore_mem>>) {add = true}
          %dma_wait3A_82 = arith.constant 0 : i32
          %dma_wait3A_83 = tpu.memref_slice %arg8[%add3A_74, %dma_wait3A_82] : memref<25x80xi32, #tpu.memory_space<vmem>> -> memref<1x80xi32, #tpu.memory_space<vmem>>
          %dma_wait3A_84 = tpu.memref_squeeze %dma_wait3A_83 : memref<1x80xi32, #tpu.memory_space<vmem>> -> memref<80xi32, #tpu.memory_space<vmem>>
          %dma_wait3A_85 = arith.constant 0 : i32
          %dma_wait3A_86 = arith.constant 0 : i32
          %dma_wait3A_87 = tpu.memref_slice %arg11[%dma_wait3A_85, %dma_wait3A_86] : memref<10240x128xf32, #tpu.memory_space<vmem_shared>> -> memref<10240x128xf32, #tpu.memory_space<vmem_shared>>
          tpu.wait_indirect_dma semaphore(%run_scoped3A_75 : memref<!tpu.dma_semaphore, #tpu.memory_space<semaphore_mem>>) src(%arg10 : memref<80x128xf32, #tpu.memory_space<vmem>>) dst(%dma_wait3A_87 : memref<10240x128xf32, #tpu.memory_space<vmem_shared>>)
          tpu.yield
        }) : () -> ()
      }
      %scan3A_29 = arith.constant 12 : i32
      %dma_wait3A = arith.constant 24 : i32
      %dma_wait3A_30 = arith.constant 0 : i32
      %dma_wait3A_31 = tpu.memref_slice %arg7[%dma_wait3A, %dma_wait3A_30] : memref<25x80xi32, #tpu.memory_space<vmem>> -> memref<1x80xi32, #tpu.memory_space<vmem>>
      %dma_wait3A_32 = tpu.memref_squeeze %dma_wait3A_31 : memref<1x80xi32, #tpu.memory_space<vmem>> -> memref<80xi32, #tpu.memory_space<vmem>>
      %dma_wait3A_33 = arith.constant 0 : i32
      %dma_wait3A_34 = arith.constant 0 : i32
      %dma_wait3A_35 = tpu.memref_slice %arg2[%dma_wait3A_33, %dma_wait3A_34] : memref<10000x128xf32, #tpu.memory_space<hbm>> -> memref<10000x128xf32, #tpu.memory_space<hbm>>
      tpu.wait_indirect_dma semaphore(%arg12 : memref<!tpu.dma_semaphore, #tpu.memory_space<semaphore_mem>>) src(%dma_wait3A_35 : memref<10000x128xf32, #tpu.memory_space<hbm>>) dst(%arg9 : memref<80x128xf32, #tpu.memory_space<vmem>>)
      %run_scoped3A = arith.constant 24 : i32
      "tpu.region"() ({
        %run_scoped3A_36 = tpu.sem_alloc : memref<!tpu.dma_semaphore, #tpu.memory_space<semaphore_mem>>
        %dma_start3A_37 = arith.constant 0 : i32
        %dma_start3A_38 = tpu.memref_slice %arg8[%run_scoped3A, %dma_start3A_37] : memref<25x80xi32, #tpu.memory_space<vmem>> -> memref<1x80xi32, #tpu.memory_space<vmem>>
        %dma_start3A_39 = tpu.memref_squeeze %dma_start3A_38 : memref<1x80xi32, #tpu.memory_space<vmem>> -> memref<80xi32, #tpu.memory_space<vmem>>
        %dma_start3A_40 = arith.constant 0 : i32
        %dma_start3A_41 = arith.constant 0 : i32
        %dma_start3A_42 = tpu.memref_slice %arg11[%dma_start3A_40, %dma_start3A_41] : memref<10240x128xf32, #tpu.memory_space<vmem_shared>> -> memref<10240x128xf32, #tpu.memory_space<vmem_shared>>
        tpu.enqueue_indirect_dma source(%arg9 : memref<80x128xf32, #tpu.memory_space<vmem>>) target(%dma_start3A_42 : memref<10240x128xf32, #tpu.memory_space<vmem_shared>>) offsets(%dma_start3A_39 : memref<80xi32, #tpu.memory_space<vmem>>) semaphore(%run_scoped3A_36 : memref<!tpu.dma_semaphore, #tpu.memory_space<semaphore_mem>>) {add = true}
        %dma_wait3A_43 = arith.constant 0 : i32
        %dma_wait3A_44 = tpu.memref_slice %arg8[%run_scoped3A, %dma_wait3A_43] : memref<25x80xi32, #tpu.memory_space<vmem>> -> memref<1x80xi32, #tpu.memory_space<vmem>>
        %dma_wait3A_45 = tpu.memref_squeeze %dma_wait3A_44 : memref<1x80xi32, #tpu.memory_space<vmem>> -> memref<80xi32, #tpu.memory_space<vmem>>
        %dma_wait3A_46 = arith.constant 0 : i32
        %dma_wait3A_47 = arith.constant 0 : i32
        %dma_wait3A_48 = tpu.memref_slice %arg11[%dma_wait3A_46, %dma_wait3A_47] : memref<10240x128xf32, #tpu.memory_space<vmem_shared>> -> memref<10240x128xf32, #tpu.memory_space<vmem_shared>>
        tpu.wait_indirect_dma semaphore(%run_scoped3A_36 : memref<!tpu.dma_semaphore, #tpu.memory_space<semaphore_mem>>) src(%arg9 : memref<80x128xf32, #tpu.memory_space<vmem>>) dst(%dma_wait3A_48 : memref<10240x128xf32, #tpu.memory_space<vmem_shared>>)
        tpu.yield
      }) : () -> ()
    }
    %scan3A_8 = arith.constant 5 : i32
    %barrier3A_9 = arith.constant 0 : index
    tpu.barrier barrier_id(%barrier3A_9)
    %mul3A_10 = arith.constant 640 : i32
    %mul3A_11 = arith.muli %arg1, %mul3A_10 : i32
    %mul3A_12 = arith.constant 640 : i32
    %mul3A_13 = arith.muli %arg1, %mul3A_12 : i32
    "tpu.region"() ({
      %run_scoped3A = tpu.sem_alloc : memref<!tpu.dma_semaphore, #tpu.memory_space<semaphore_mem>>
      %dma_start3A = arith.constant 0 : i32
      %dma_start3A_14 = tpu.memref_slice %arg6[%arg0, %mul3A_13, %dma_start3A] : memref<2x10240x128xf32, #tpu.memory_space<hbm>> -> memref<1x640x128xf32, #tpu.memory_space<hbm>>
      %dma_start3A_15 = tpu.memref_squeeze %dma_start3A_14 : memref<1x640x128xf32, #tpu.memory_space<hbm>> -> memref<640x128xf32, #tpu.memory_space<hbm>>
      %dma_start3A_16 = arith.constant 0 : i32
      %dma_start3A_17 = tpu.memref_slice %arg11[%mul3A_11, %dma_start3A_16] : memref<10240x128xf32, #tpu.memory_space<vmem_shared>> -> memref<640x128xf32, #tpu.memory_space<vmem_shared>>
      tpu.enqueue_dma source(%dma_start3A_17 : memref<640x128xf32, #tpu.memory_space<vmem_shared>>) target(%dma_start3A_15 : memref<640x128xf32, #tpu.memory_space<hbm>>) target_semaphore(%run_scoped3A : memref<!tpu.dma_semaphore, #tpu.memory_space<semaphore_mem>>)
      %dma_wait3A = arith.constant 0 : i32
      %dma_wait3A_18 = tpu.memref_slice %arg6[%arg0, %mul3A_13, %dma_wait3A] : memref<2x10240x128xf32, #tpu.memory_space<hbm>> -> memref<1x640x128xf32, #tpu.memory_space<hbm>>
      %dma_wait3A_19 = tpu.memref_squeeze %dma_wait3A_18 : memref<1x640x128xf32, #tpu.memory_space<hbm>> -> memref<640x128xf32, #tpu.memory_space<hbm>>
      %dma_wait3A_20 = arith.constant 0 : i32
      %dma_wait3A_21 = tpu.memref_slice %arg11[%mul3A_11, %dma_wait3A_20] : memref<10240x128xf32, #tpu.memory_space<vmem_shared>> -> memref<640x128xf32, #tpu.memory_space<vmem_shared>>
      tpu.wait_dma2 semaphore(%run_scoped3A : memref<!tpu.dma_semaphore, #tpu.memory_space<semaphore_mem>>) src(%dma_wait3A_21 : memref<640x128xf32, #tpu.memory_space<vmem_shared>>) dst(%dma_wait3A_19 : memref<640x128xf32, #tpu.memory_space<hbm>>)
      tpu.yield
    }) : () -> ()
    return
  }
}

module attributes {stable_mosaic.version = 14 : i64} {
  func.func @_tc_enc_body(%arg0: i32, %arg1: memref<2000x128xf32, #tpu.memory_space<vmem>>, %arg2: memref<128x128xf32, #tpu.memory_space<vmem>>, %arg3: memref<1x128xf32, #tpu.memory_space<vmem>>, %arg4: memref<128x128xf32, #tpu.memory_space<vmem>>, %arg5: memref<1x128xf32, #tpu.memory_space<vmem>>, %arg6: memref<128x128xf32, #tpu.memory_space<vmem>>, %arg7: memref<2000x128xf32, #tpu.memory_space<vmem>>, %arg8: memref<2000x128xf32, #tpu.memory_space<vmem>>, %arg9: memref<2000x128xf32, #tpu.memory_space<vmem>>, %arg10: memref<2000x16xf32, #tpu.memory_space<vmem>>) attributes {dimension_semantics = [#tpu.dimension_semantics<arbitrary>], iteration_bounds = array<i64: 5>, scalar_prefetch = 0 : i64, scratch_operands = 0 : i64, tpu.core_type = #tpu.core_type<tc>, window_params = [{transform_indices = @transform_0, window_bounds = array<i64: 2000, 128>}, {pipeline_mode = #tpu.pipeline_mode<synchronous>, transform_indices = @transform_1, window_bounds = array<i64: 128, 128>}, {pipeline_mode = #tpu.pipeline_mode<synchronous>, transform_indices = @transform_2, window_bounds = array<i64: 1, 128>}, {pipeline_mode = #tpu.pipeline_mode<synchronous>, transform_indices = @transform_3, window_bounds = array<i64: 128, 128>}, {pipeline_mode = #tpu.pipeline_mode<synchronous>, transform_indices = @transform_4, window_bounds = array<i64: 1, 128>}, {pipeline_mode = #tpu.pipeline_mode<synchronous>, transform_indices = @transform_5, window_bounds = array<i64: 128, 128>}, {transform_indices = @transform_6, window_bounds = array<i64: 2000, 128>}, {transform_indices = @transform_7, window_bounds = array<i64: 2000, 128>}, {transform_indices = @transform_8, window_bounds = array<i64: 2000, 128>}, {transform_indices = @transform_9, window_bounds = array<i64: 2000, 16>}]} {
    %get3A = arith.constant 0 : index
    %get3A_0 = arith.constant 0 : index
    %get3A_1 = vector.load %arg1[%get3A, %get3A_0] : memref<2000x128xf32, #tpu.memory_space<vmem>>, vector<2000x128xf32>
    %get3A_2 = arith.constant 0 : index
    %get3A_3 = arith.constant 0 : index
    %get3A_4 = vector.load %arg2[%get3A_2, %get3A_3] : memref<128x128xf32, #tpu.memory_space<vmem>>, vector<128x128xf32>
    %dot_general3A = arith.constant dense<0.000000e+00> : vector<2000x128xf32>
    %dot_general3A_5 = tpu.matmul %get3A_1, %get3A_4, %dot_general3A {dimension_numbers = #tpu.dot_dimension_numbers<[1], [0], [0], [1], [0, 0, 1, 1], [], []>, transpose_lhs_hint = false} : vector<2000x128xf32>, vector<128x128xf32>, vector<2000x128xf32> -> vector<2000x128xf32>
    %get3A_6 = arith.constant 0 : index
    %get3A_7 = arith.constant 0 : index
    %get3A_8 = vector.load %arg3[%get3A_6, %get3A_7] : memref<1x128xf32, #tpu.memory_space<vmem>>, vector<1x128xf32>
    %add3A = vector.broadcast %get3A_8 : vector<1x128xf32> to vector<2000x128xf32>
    %add3A_9 = arith.addf %dot_general3A_5, %add3A : vector<2000x128xf32>
    %max3A = arith.constant 0.000000e+00 : f32
    %max3A_10 = vector.broadcast %max3A : f32 to vector<2000x128xf32>
    %max3A_11 = arith.maximumf %add3A_9, %max3A_10 : vector<2000x128xf32>
    %get3A_12 = arith.constant 0 : index
    %get3A_13 = arith.constant 0 : index
    %get3A_14 = vector.load %arg4[%get3A_12, %get3A_13] : memref<128x128xf32, #tpu.memory_space<vmem>>, vector<128x128xf32>
    %dot_general3A_15 = arith.constant dense<0.000000e+00> : vector<2000x128xf32>
    %dot_general3A_16 = tpu.matmul %max3A_11, %get3A_14, %dot_general3A_15 {dimension_numbers = #tpu.dot_dimension_numbers<[1], [0], [0], [1], [0, 0, 1, 1], [], []>, transpose_lhs_hint = false} : vector<2000x128xf32>, vector<128x128xf32>, vector<2000x128xf32> -> vector<2000x128xf32>
    %get3A_17 = arith.constant 0 : index
    %get3A_18 = arith.constant 0 : index
    %get3A_19 = vector.load %arg5[%get3A_17, %get3A_18] : memref<1x128xf32, #tpu.memory_space<vmem>>, vector<1x128xf32>
    %add3A_20 = vector.broadcast %get3A_19 : vector<1x128xf32> to vector<2000x128xf32>
    %add3A_21 = arith.addf %dot_general3A_16, %add3A_20 : vector<2000x128xf32>
    %get3A_22 = arith.constant 0 : index
    %get3A_23 = arith.constant 0 : index
    %get3A_24 = vector.load %arg7[%get3A_22, %get3A_23] : memref<2000x128xf32, #tpu.memory_space<vmem>>, vector<2000x128xf32>
    %slice3A = vector.extract_strided_slice %get3A_24 {offsets = [0, 0], sizes = [2000, 1], strides = [1, 1]} : vector<2000x128xf32> to vector<2000x1xf32>
    %get3A_25 = arith.constant 0 : index
    %get3A_26 = arith.constant 0 : index
    %get3A_27 = vector.load %arg8[%get3A_25, %get3A_26] : memref<2000x128xf32, #tpu.memory_space<vmem>>, vector<2000x128xf32>
    %slice3A_28 = vector.extract_strided_slice %get3A_27 {offsets = [0, 0], sizes = [2000, 1], strides = [1, 1]} : vector<2000x128xf32> to vector<2000x1xf32>
    %add3A_29 = arith.addf %slice3A, %slice3A_28 : vector<2000x1xf32>
    %add3A_30 = arith.constant 1.000000e+00 : f32
    %add3A_31 = vector.broadcast %add3A_30 : f32 to vector<2000x1xf32>
    %add3A_32 = arith.addf %add3A_29, %add3A_31 : vector<2000x1xf32>
    %rsqrt3A = math.rsqrt %add3A_32 : vector<2000x1xf32>
    %get3A_33 = arith.constant 0 : index
    %get3A_34 = arith.constant 0 : index
    %get3A_35 = vector.load %arg6[%get3A_33, %get3A_34] : memref<128x128xf32, #tpu.memory_space<vmem>>, vector<128x128xf32>
    %dot_general3A_36 = arith.constant dense<0.000000e+00> : vector<2000x128xf32>
    %dot_general3A_37 = tpu.matmul %add3A_21, %get3A_35, %dot_general3A_36 {dimension_numbers = #tpu.dot_dimension_numbers<[1], [0], [0], [1], [0, 0, 1, 1], [], []>, transpose_lhs_hint = false} : vector<2000x128xf32>, vector<128x128xf32>, vector<2000x128xf32> -> vector<2000x128xf32>
    %mul3A = vector.broadcast %rsqrt3A : vector<2000x1xf32> to vector<2000x128xf32>
    %mul3A_38 = arith.mulf %dot_general3A_37, %mul3A : vector<2000x128xf32>
    %swap3A = arith.constant 0 : index
    %swap3A_39 = arith.constant 0 : index
    %swap3A_40 = vector.load %arg9[%swap3A, %swap3A_39] : memref<2000x128xf32, #tpu.memory_space<vmem>>, vector<2000x128xf32>
    tpu.vector_store %arg9[%swap3A, %swap3A_39], %mul3A_38 {strides = array<i32>} : memref<2000x128xf32, #tpu.memory_space<vmem>>, vector<2000x128xf32>,
    %broadcast_in_dim3A = vector.shape_cast %rsqrt3A : vector<2000x1xf32> to vector<2000x1xf32>
    %broadcast_in_dim3A_41 = vector.broadcast %broadcast_in_dim3A : vector<2000x1xf32> to vector<2000x16xf32>
    %swap3A_42 = arith.constant 0 : index
    %swap3A_43 = arith.constant 0 : index
    %swap3A_44 = vector.load %arg10[%swap3A_42, %swap3A_43] : memref<2000x16xf32, #tpu.memory_space<vmem>>, vector<2000x16xf32>
    tpu.vector_store %arg10[%swap3A_42, %swap3A_43], %broadcast_in_dim3A_41 {strides = array<i32>} : memref<2000x16xf32, #tpu.memory_space<vmem>>, vector<2000x16xf32>,
    return
  }
  func.func @transform_0(%arg0: i32) -> (i32, i32) {
    %c0_i32 = arith.constant 0 : i32
    %c0_i32_0 = arith.constant 0 : i32
    return %arg0, %c0_i32 : i32, i32
  }
  func.func @transform_1(%arg0: i32) -> (i32, i32) {
    %c0_i32 = arith.constant 0 : i32
    %c0_i32_0 = arith.constant 0 : i32
    %c0_i32_1 = arith.constant 0 : i32
    return %c0_i32, %c0_i32_0 : i32, i32
  }
  func.func @transform_2(%arg0: i32) -> (i32, i32) {
    %c0_i32 = arith.constant 0 : i32
    %c0_i32_0 = arith.constant 0 : i32
    %c0_i32_1 = arith.constant 0 : i32
    return %c0_i32, %c0_i32_0 : i32, i32
  }
  func.func @transform_3(%arg0: i32) -> (i32, i32) {
    %c0_i32 = arith.constant 0 : i32
    %c0_i32_0 = arith.constant 0 : i32
    %c0_i32_1 = arith.constant 0 : i32
    return %c0_i32, %c0_i32_0 : i32, i32
  }
  func.func @transform_4(%arg0: i32) -> (i32, i32) {
    %c0_i32 = arith.constant 0 : i32
    %c0_i32_0 = arith.constant 0 : i32
    %c0_i32_1 = arith.constant 0 : i32
    return %c0_i32, %c0_i32_0 : i32, i32
  }
  func.func @transform_5(%arg0: i32) -> (i32, i32) {
    %c0_i32 = arith.constant 0 : i32
    %c0_i32_0 = arith.constant 0 : i32
    %c0_i32_1 = arith.constant 0 : i32
    return %c0_i32, %c0_i32_0 : i32, i32
  }
  func.func @transform_6(%arg0: i32) -> (i32, i32) {
    %c0_i32 = arith.constant 0 : i32
    %c0_i32_0 = arith.constant 0 : i32
    return %arg0, %c0_i32 : i32, i32
  }
  func.func @transform_7(%arg0: i32) -> (i32, i32) {
    %c0_i32 = arith.constant 0 : i32
    %c0_i32_0 = arith.constant 0 : i32
    return %arg0, %c0_i32 : i32, i32
  }
  func.func @transform_8(%arg0: i32) -> (i32, i32) {
    %c0_i32 = arith.constant 0 : i32
    %c0_i32_0 = arith.constant 0 : i32
    return %arg0, %c0_i32 : i32, i32
  }
  func.func @transform_9(%arg0: i32) -> (i32, i32) {
    %c0_i32 = arith.constant 0 : i32
    %c0_i32_0 = arith.constant 0 : i32
    return %arg0, %c0_i32 : i32, i32
  }
}

module attributes {stable_mosaic.version = 14 : i64} {
  func.func @_tc_mid_body(%arg0: i32, %arg1: memref<2000x128xf32, #tpu.memory_space<vmem>>, %arg2: memref<2000x128xf32, #tpu.memory_space<vmem>>, %arg3: memref<2000x128xf32, #tpu.memory_space<vmem>>, %arg4: memref<2000x16xf32, #tpu.memory_space<vmem>>, %arg5: memref<1x128xf32, #tpu.memory_space<vmem>>, %arg6: memref<128x128xf32, #tpu.memory_space<vmem>>, %arg7: memref<2000x128xf32, #tpu.memory_space<vmem>>) attributes {dimension_semantics = [#tpu.dimension_semantics<arbitrary>], iteration_bounds = array<i64: 5>, scalar_prefetch = 0 : i64, scratch_operands = 0 : i64, tpu.core_type = #tpu.core_type<tc>, window_params = [{transform_indices = @transform_0, window_bounds = array<i64: 2000, 128>}, {transform_indices = @transform_1, window_bounds = array<i64: 2000, 128>}, {transform_indices = @transform_2, window_bounds = array<i64: 2000, 128>}, {transform_indices = @transform_3, window_bounds = array<i64: 2000, 16>}, {pipeline_mode = #tpu.pipeline_mode<synchronous>, transform_indices = @transform_4, window_bounds = array<i64: 1, 128>}, {pipeline_mode = #tpu.pipeline_mode<synchronous>, transform_indices = @transform_5, window_bounds = array<i64: 128, 128>}, {transform_indices = @transform_6, window_bounds = array<i64: 2000, 128>}]} {
    %get3A = arith.constant 0 : index
    %get3A_0 = arith.constant 0 : index
    %get3A_1 = vector.load %arg4[%get3A, %get3A_0] : memref<2000x16xf32, #tpu.memory_space<vmem>>, vector<2000x16xf32>
    %slice3A = vector.extract_strided_slice %get3A_1 {offsets = [0, 0], sizes = [2000, 1], strides = [1, 1]} : vector<2000x16xf32> to vector<2000x1xf32>
    %get3A_2 = arith.constant 0 : index
    %get3A_3 = arith.constant 0 : index
    %get3A_4 = vector.load %arg1[%get3A_2, %get3A_3] : memref<2000x128xf32, #tpu.memory_space<vmem>>, vector<2000x128xf32>
    %get3A_5 = arith.constant 0 : index
    %get3A_6 = arith.constant 0 : index
    %get3A_7 = vector.load %arg2[%get3A_5, %get3A_6] : memref<2000x128xf32, #tpu.memory_space<vmem>>, vector<2000x128xf32>
    %add3A = arith.addf %get3A_4, %get3A_7 : vector<2000x128xf32>
    %get3A_8 = arith.constant 0 : index
    %get3A_9 = arith.constant 0 : index
    %get3A_10 = vector.load %arg3[%get3A_8, %get3A_9] : memref<2000x128xf32, #tpu.memory_space<vmem>>, vector<2000x128xf32>
    %add3A_11 = arith.addf %add3A, %get3A_10 : vector<2000x128xf32>
    %mul3A = vector.broadcast %slice3A : vector<2000x1xf32> to vector<2000x128xf32>
    %mul3A_12 = arith.mulf %add3A_11, %mul3A : vector<2000x128xf32>
    %get3A_13 = arith.constant 0 : index
    %get3A_14 = arith.constant 0 : index
    %get3A_15 = vector.load %arg5[%get3A_13, %get3A_14] : memref<1x128xf32, #tpu.memory_space<vmem>>, vector<1x128xf32>
    %add3A_16 = vector.broadcast %get3A_15 : vector<1x128xf32> to vector<2000x128xf32>
    %add3A_17 = arith.addf %mul3A_12, %add3A_16 : vector<2000x128xf32>
    %max3A = arith.constant 0.000000e+00 : f32
    %max3A_18 = vector.broadcast %max3A : f32 to vector<2000x128xf32>
    %max3A_19 = arith.maximumf %add3A_17, %max3A_18 : vector<2000x128xf32>
    %get3A_20 = arith.constant 0 : index
    %get3A_21 = arith.constant 0 : index
    %get3A_22 = vector.load %arg6[%get3A_20, %get3A_21] : memref<128x128xf32, #tpu.memory_space<vmem>>, vector<128x128xf32>
    %dot_general3A = arith.constant dense<0.000000e+00> : vector<2000x128xf32>
    %dot_general3A_23 = tpu.matmul %max3A_19, %get3A_22, %dot_general3A {dimension_numbers = #tpu.dot_dimension_numbers<[1], [0], [0], [1], [0, 0, 1, 1], [], []>, transpose_lhs_hint = false} : vector<2000x128xf32>, vector<128x128xf32>, vector<2000x128xf32> -> vector<2000x128xf32>
    %mul3A_24 = vector.broadcast %slice3A : vector<2000x1xf32> to vector<2000x128xf32>
    %mul3A_25 = arith.mulf %dot_general3A_23, %mul3A_24 : vector<2000x128xf32>
    %swap3A = arith.constant 0 : index
    %swap3A_26 = arith.constant 0 : index
    %swap3A_27 = vector.load %arg7[%swap3A, %swap3A_26] : memref<2000x128xf32, #tpu.memory_space<vmem>>, vector<2000x128xf32>
    tpu.vector_store %arg7[%swap3A, %swap3A_26], %mul3A_25 {strides = array<i32>} : memref<2000x128xf32, #tpu.memory_space<vmem>>, vector<2000x128xf32>,
    return
  }
  func.func @transform_0(%arg0: i32) -> (i32, i32) {
    %c0_i32 = arith.constant 0 : i32
    %c0_i32_0 = arith.constant 0 : i32
    return %arg0, %c0_i32 : i32, i32
  }
  func.func @transform_1(%arg0: i32) -> (i32, i32) {
    %c0_i32 = arith.constant 0 : i32
    %c0_i32_0 = arith.constant 0 : i32
    return %arg0, %c0_i32 : i32, i32
  }
  func.func @transform_2(%arg0: i32) -> (i32, i32) {
    %c0_i32 = arith.constant 0 : i32
    %c0_i32_0 = arith.constant 0 : i32
    return %arg0, %c0_i32 : i32, i32
  }
  func.func @transform_3(%arg0: i32) -> (i32, i32) {
    %c0_i32 = arith.constant 0 : i32
    %c0_i32_0 = arith.constant 0 : i32
    return %arg0, %c0_i32 : i32, i32
  }
  func.func @transform_4(%arg0: i32) -> (i32, i32) {
    %c0_i32 = arith.constant 0 : i32
    %c0_i32_0 = arith.constant 0 : i32
    %c0_i32_1 = arith.constant 0 : i32
    return %c0_i32, %c0_i32_0 : i32, i32
  }
  func.func @transform_5(%arg0: i32) -> (i32, i32) {
    %c0_i32 = arith.constant 0 : i32
    %c0_i32_0 = arith.constant 0 : i32
    %c0_i32_1 = arith.constant 0 : i32
    return %c0_i32, %c0_i32_0 : i32, i32
  }
  func.func @transform_6(%arg0: i32) -> (i32, i32) {
    %c0_i32 = arith.constant 0 : i32
    %c0_i32_0 = arith.constant 0 : i32
    return %arg0, %c0_i32 : i32, i32
  }
}

module attributes {stable_mosaic.version = 14 : i64} {
  func.func @_tc_fin_body(%arg0: i32, %arg1: memref<2000x128xf32, #tpu.memory_space<vmem>>, %arg2: memref<2000x128xf32, #tpu.memory_space<vmem>>, %arg3: memref<2000x128xf32, #tpu.memory_space<vmem>>, %arg4: memref<2000x16xf32, #tpu.memory_space<vmem>>, %arg5: memref<1x128xf32, #tpu.memory_space<vmem>>, %arg6: memref<1x1x2000xi32, #tpu.memory_space<vmem>>, %arg7: memref<128x128xf32, #tpu.memory_space<vmem>>, %arg8: memref<1x128xf32, #tpu.memory_space<vmem>>, %arg9: memref<128x64xf32, #tpu.memory_space<vmem>>, %arg10: memref<1x64xf32, #tpu.memory_space<vmem>>, %arg11: memref<16x64xf32, #tpu.memory_space<vmem>>, %arg12: memref<16x128xf32, #tpu.memory_space<vmem>>) attributes {dimension_semantics = [#tpu.dimension_semantics<arbitrary>], iteration_bounds = array<i64: 5>, scalar_prefetch = 0 : i64, scratch_operands = 1 : i64, tpu.core_type = #tpu.core_type<tc>, window_params = [{transform_indices = @transform_0, window_bounds = array<i64: 2000, 128>}, {transform_indices = @transform_1, window_bounds = array<i64: 2000, 128>}, {transform_indices = @transform_2, window_bounds = array<i64: 2000, 128>}, {transform_indices = @transform_3, window_bounds = array<i64: 2000, 16>}, {pipeline_mode = #tpu.pipeline_mode<synchronous>, transform_indices = @transform_4, window_bounds = array<i64: 1, 128>}, {transform_indices = @transform_5, window_bounds = array<i64: 1, 1, 2000>}, {pipeline_mode = #tpu.pipeline_mode<synchronous>, transform_indices = @transform_6, window_bounds = array<i64: 128, 128>}, {pipeline_mode = #tpu.pipeline_mode<synchronous>, transform_indices = @transform_7, window_bounds = array<i64: 1, 128>}, {pipeline_mode = #tpu.pipeline_mode<synchronous>, transform_indices = @transform_8, window_bounds = array<i64: 128, 64>}, {pipeline_mode = #tpu.pipeline_mode<synchronous>, transform_indices = @transform_9, window_bounds = array<i64: 1, 64>}, {pipeline_mode = #tpu.pipeline_mode<synchronous>, transform_indices = @transform_10, window_bounds = array<i64: 16, 64>}]} {
    %eq3A = arith.constant 0 : i32
    %eq3A_0 = arith.cmpi eq, %arg0, %eq3A : i32
    %convert_element_type3A = arith.extui %eq3A_0 : i1 to i32
    %cond3A = arith.constant 0 : i32
    %cond3A_1 = arith.cmpi ne, %convert_element_type3A, %cond3A : i32
    scf.if %cond3A_1 {
      %broadcast_in_dim3A_43 = arith.constant 0.000000e+00 : f32
      %broadcast_in_dim3A_44 = vector.broadcast %broadcast_in_dim3A_43 : f32 to vector<16x128xf32>
      %swap3A_45 = arith.constant 0 : index
      %swap3A_46 = arith.constant 0 : index
      %swap3A_47 = vector.load %arg12[%swap3A_45, %swap3A_46] : memref<16x128xf32, #tpu.memory_space<vmem>>, vector<16x128xf32>
      tpu.vector_store %arg12[%swap3A_45, %swap3A_46], %broadcast_in_dim3A_44 {strides = array<i32>} : memref<16x128xf32, #tpu.memory_space<vmem>>, vector<16x128xf32>,
    } else {
    }
    %get3A = arith.constant 0 : index
    %get3A_2 = arith.constant 0 : index
    %get3A_3 = vector.load %arg4[%get3A, %get3A_2] : memref<2000x16xf32, #tpu.memory_space<vmem>>, vector<2000x16xf32>
    %slice3A = vector.extract_strided_slice %get3A_3 {offsets = [0, 0], sizes = [2000, 1], strides = [1, 1]} : vector<2000x16xf32> to vector<2000x1xf32>
    %get3A_4 = arith.constant 0 : index
    %get3A_5 = arith.constant 0 : index
    %get3A_6 = vector.load %arg1[%get3A_4, %get3A_5] : memref<2000x128xf32, #tpu.memory_space<vmem>>, vector<2000x128xf32>
    %get3A_7 = arith.constant 0 : index
    %get3A_8 = arith.constant 0 : index
    %get3A_9 = vector.load %arg2[%get3A_7, %get3A_8] : memref<2000x128xf32, #tpu.memory_space<vmem>>, vector<2000x128xf32>
    %add3A = arith.addf %get3A_6, %get3A_9 : vector<2000x128xf32>
    %get3A_10 = arith.constant 0 : index
    %get3A_11 = arith.constant 0 : index
    %get3A_12 = vector.load %arg3[%get3A_10, %get3A_11] : memref<2000x128xf32, #tpu.memory_space<vmem>>, vector<2000x128xf32>
    %add3A_13 = arith.addf %add3A, %get3A_12 : vector<2000x128xf32>
    %mul3A = vector.broadcast %slice3A : vector<2000x1xf32> to vector<2000x128xf32>
    %mul3A_14 = arith.mulf %add3A_13, %mul3A : vector<2000x128xf32>
    %get3A_15 = arith.constant 0 : index
    %get3A_16 = arith.constant 0 : index
    %get3A_17 = vector.load %arg5[%get3A_15, %get3A_16] : memref<1x128xf32, #tpu.memory_space<vmem>>, vector<1x128xf32>
    %add3A_18 = vector.broadcast %get3A_17 : vector<1x128xf32> to vector<2000x128xf32>
    %add3A_19 = arith.addf %mul3A_14, %add3A_18 : vector<2000x128xf32>
    %max3A = arith.constant 0.000000e+00 : f32
    %max3A_20 = vector.broadcast %max3A : f32 to vector<2000x128xf32>
    %max3A_21 = arith.maximumf %add3A_19, %max3A_20 : vector<2000x128xf32>
    %get3A_22 = arith.constant 0 : index
    %get3A_23 = arith.constant 0 : index
    %get3A_24 = arith.constant 0 : index
    %get3A_25 = vector.load %arg6[%get3A_22, %get3A_23, %get3A_24] : memref<1x1x2000xi32, #tpu.memory_space<vmem>>, vector<1x1x2000xi32>
    %get3A_26 = vector.shape_cast %get3A_25 : vector<1x1x2000xi32> to vector<2000xi32>
    %broadcast_in_dim3A = vector.shape_cast %get3A_26 : vector<2000xi32> to vector<1x2000xi32>
    %iota3A = tpu.iota {dimensions = array<i32: 0>} : vector<16x2000xi32>
    %eq3A_27 = vector.broadcast %broadcast_in_dim3A : vector<1x2000xi32> to vector<16x2000xi32>
    %eq3A_28 = arith.cmpi eq, %eq3A_27, %iota3A : vector<16x2000xi32>
    %convert_element_type3A_29 = arith.extui %eq3A_28 : vector<16x2000xi1> to vector<16x2000xi32>
    %convert_element_type3A_30 = arith.sitofp %convert_element_type3A_29 : vector<16x2000xi32> to vector<16x2000xf32>
    %get3A_31 = arith.constant 0 : index
    %get3A_32 = arith.constant 0 : index
    %get3A_33 = vector.load %arg12[%get3A_31, %get3A_32] : memref<16x128xf32, #tpu.memory_space<vmem>>, vector<16x128xf32>
    %dot_general3A = arith.constant dense<0.000000e+00> : vector<16x128xf32>
    %dot_general3A_34 = tpu.matmul %convert_element_type3A_30, %max3A_21, %dot_general3A {dimension_numbers = #tpu.dot_dimension_numbers<[1], [0], [0], [1], [0, 0, 1, 1], [], []>, transpose_lhs_hint = false} : vector<16x2000xf32>, vector<2000x128xf32>, vector<16x128xf32> -> vector<16x128xf32>
    %add3A_35 = arith.addf %get3A_33, %dot_general3A_34 : vector<16x128xf32>
    %swap3A = arith.constant 0 : index
    %swap3A_36 = arith.constant 0 : index
    %swap3A_37 = vector.load %arg12[%swap3A, %swap3A_36] : memref<16x128xf32, #tpu.memory_space<vmem>>, vector<16x128xf32>
    tpu.vector_store %arg12[%swap3A, %swap3A_36], %add3A_35 {strides = array<i32>} : memref<16x128xf32, #tpu.memory_space<vmem>>, vector<16x128xf32>,
    %eq3A_38 = arith.constant 4 : i32
    %eq3A_39 = arith.cmpi eq, %arg0, %eq3A_38 : i32
    %convert_element_type3A_40 = arith.extui %eq3A_39 : i1 to i32
    %cond3A_41 = arith.constant 0 : i32
    %cond3A_42 = arith.cmpi ne, %convert_element_type3A_40, %cond3A_41 : i32
    scf.if %cond3A_42 {
      %get3A_43 = arith.constant 0 : index
      %get3A_44 = arith.constant 0 : index
      %get3A_45 = vector.load %arg12[%get3A_43, %get3A_44] : memref<16x128xf32, #tpu.memory_space<vmem>>, vector<16x128xf32>
      %get3A_46 = arith.constant 0 : index
      %get3A_47 = arith.constant 0 : index
      %get3A_48 = vector.load %arg7[%get3A_46, %get3A_47] : memref<128x128xf32, #tpu.memory_space<vmem>>, vector<128x128xf32>
      %dot_general3A_49 = arith.constant dense<0.000000e+00> : vector<16x128xf32>
      %dot_general3A_50 = tpu.matmul %get3A_45, %get3A_48, %dot_general3A_49 {dimension_numbers = #tpu.dot_dimension_numbers<[1], [0], [0], [1], [0, 0, 1, 1], [], []>, transpose_lhs_hint = false} : vector<16x128xf32>, vector<128x128xf32>, vector<16x128xf32> -> vector<16x128xf32>
      %get3A_51 = arith.constant 0 : index
      %get3A_52 = arith.constant 0 : index
      %get3A_53 = vector.load %arg8[%get3A_51, %get3A_52] : memref<1x128xf32, #tpu.memory_space<vmem>>, vector<1x128xf32>
      %add3A_54 = vector.broadcast %get3A_53 : vector<1x128xf32> to vector<16x128xf32>
      %add3A_55 = arith.addf %dot_general3A_50, %add3A_54 : vector<16x128xf32>
      %max3A_56 = arith.constant 0.000000e+00 : f32
      %max3A_57 = vector.broadcast %max3A_56 : f32 to vector<16x128xf32>
      %max3A_58 = arith.maximumf %add3A_55, %max3A_57 : vector<16x128xf32>
      %get3A_59 = arith.constant 0 : index
      %get3A_60 = arith.constant 0 : index
      %get3A_61 = vector.load %arg9[%get3A_59, %get3A_60] : memref<128x64xf32, #tpu.memory_space<vmem>>, vector<128x64xf32>
      %dot_general3A_62 = arith.constant dense<0.000000e+00> : vector<16x64xf32>
      %dot_general3A_63 = tpu.matmul %max3A_58, %get3A_61, %dot_general3A_62 {dimension_numbers = #tpu.dot_dimension_numbers<[1], [0], [0], [1], [0, 0, 1, 1], [], []>, transpose_lhs_hint = false} : vector<16x128xf32>, vector<128x64xf32>, vector<16x64xf32> -> vector<16x64xf32>
      %get3A_64 = arith.constant 0 : index
      %get3A_65 = arith.constant 0 : index
      %get3A_66 = vector.load %arg10[%get3A_64, %get3A_65] : memref<1x64xf32, #tpu.memory_space<vmem>>, vector<1x64xf32>
      %add3A_67 = vector.broadcast %get3A_66 : vector<1x64xf32> to vector<16x64xf32>
      %add3A_68 = arith.addf %dot_general3A_63, %add3A_67 : vector<16x64xf32>
      %swap3A_69 = arith.constant 0 : index
      %swap3A_70 = arith.constant 0 : index
      %swap3A_71 = vector.load %arg11[%swap3A_69, %swap3A_70] : memref<16x64xf32, #tpu.memory_space<vmem>>, vector<16x64xf32>
      tpu.vector_store %arg11[%swap3A_69, %swap3A_70], %add3A_68 {strides = array<i32>} : memref<16x64xf32, #tpu.memory_space<vmem>>, vector<16x64xf32>,
    } else {
    }
    return
  }
  func.func @transform_0(%arg0: i32) -> (i32, i32) {
    %c0_i32 = arith.constant 0 : i32
    %c0_i32_0 = arith.constant 0 : i32
    return %arg0, %c0_i32 : i32, i32
  }
  func.func @transform_1(%arg0: i32) -> (i32, i32) {
    %c0_i32 = arith.constant 0 : i32
    %c0_i32_0 = arith.constant 0 : i32
    return %arg0, %c0_i32 : i32, i32
  }
  func.func @transform_2(%arg0: i32) -> (i32, i32) {
    %c0_i32 = arith.constant 0 : i32
    %c0_i32_0 = arith.constant 0 : i32
    return %arg0, %c0_i32 : i32, i32
  }
  func.func @transform_3(%arg0: i32) -> (i32, i32) {
    %c0_i32 = arith.constant 0 : i32
    %c0_i32_0 = arith.constant 0 : i32
    return %arg0, %c0_i32 : i32, i32
  }
  func.func @transform_4(%arg0: i32) -> (i32, i32) {
    %c0_i32 = arith.constant 0 : i32
    %c0_i32_0 = arith.constant 0 : i32
    %c0_i32_1 = arith.constant 0 : i32
    return %c0_i32, %c0_i32_0 : i32, i32
  }
  func.func @transform_5(%arg0: i32) -> (i32, i32, i32) {
    %c0_i32 = arith.constant 0 : i32
    %c0_i32_0 = arith.constant 0 : i32
    %c0_i32_1 = arith.constant 0 : i32
    return %arg0, %c0_i32, %c0_i32_0 : i32, i32, i32
  }
  func.func @transform_6(%arg0: i32) -> (i32, i32) {
    %c0_i32 = arith.constant 0 : i32
    %c0_i32_0 = arith.constant 0 : i32
    %c0_i32_1 = arith.constant 0 : i32
    return %c0_i32, %c0_i32_0 : i32, i32
  }
  func.func @transform_7(%arg0: i32) -> (i32, i32) {
    %c0_i32 = arith.constant 0 : i32
    %c0_i32_0 = arith.constant 0 : i32
    %c0_i32_1 = arith.constant 0 : i32
    return %c0_i32, %c0_i32_0 : i32, i32
  }
  func.func @transform_8(%arg0: i32) -> (i32, i32) {
    %c0_i32 = arith.constant 0 : i32
    %c0_i32_0 = arith.constant 0 : i32
    %c0_i32_1 = arith.constant 0 : i32
    return %c0_i32, %c0_i32_0 : i32, i32
  }
  func.func @transform_9(%arg0: i32) -> (i32, i32) {
    %c0_i32 = arith.constant 0 : i32
    %c0_i32_0 = arith.constant 0 : i32
    %c0_i32_1 = arith.constant 0 : i32
    return %c0_i32, %c0_i32_0 : i32, i32
  }
  func.func @transform_10(%arg0: i32) -> (i32, i32) {
    %c0_i32 = arith.constant 0 : i32
    %c0_i32_0 = arith.constant 0 : i32
    %c0_i32_1 = arith.constant 0 : i32
    return %c0_i32, %c0_i32_0 : i32, i32
  }
}

</mosaic_0001>

<sc_bundles>
// kernel: kernel.10.cloned.1.call-start
scs
__scs_entry_jumppad:
0x0: {  	(pc) =	sbr.rel $0x88, $3  }
0x1: {  	(tag) =	ssettag $0x0;
	lr =	simm.s32 $0x1  }
0x2: {  	[smem:$0x3F96] =	sst lr;
	_ =	strace $0xD0000000  }
0x3: {  	_ = 	snop  }
0x4: {  	_ = 	snop  }
0x5: {  	_ = 	snop  }
0x6: {  	_ = 	snop  }
0x7: {  	_ = 	snop  }
__scs_overlays_trampoline_lowered:
0x8: {  	[smem:$0x3FA5] =	sst s0  }
0x9: {  	[smem:$0x3FA6] =	sst s1  }
0xa: {  	[smem:$0x3FA7] =	sst s2  }
0xb: {  	[smem:$0x3FA8] =	sst s3  }
0xc: {  	[smem:$0x3FA9] =	sst s4  }
0xd: {  	[smem:$0x3FAA] =	sst s5  }
0xe: {  	[smem:$0x3FAB] =	sst s6  }
0xf: {  	[smem:$0x3FAC] =	sst s7  }
0x10: {  	[smem:$0x3FAD] =	sst s8  }
0x11: {  	[smem:$0x3FAE] =	sst s9;
	s0 =	simm.s32 @!p0 $0x0  }
0x12: {  	s1 =	sld [smem:$0x3F94];
	s0 =	simm.s32 @p0 $0x1  }
0x13: {  	[smem:$0x3FAF] =	sst s0;
	s0 =	simm.s32 @!p1 $0x0  }
0x14: {  	s2 =	sld [smem:$0x3F93];
	s0 =	simm.s32 @p1 $0x1  }
0x15: {  	[smem:$0x3FB0] =	sst s0;
	s0 =	simm.s32 @!p2 $0x0  }
0x16: {  	s3 =	sld [smem:$0x3FDB];
	s0 =	simm.s32 @p2 $0x1  }
0x17: {  	s4 =	simm.s32 $0x1BF5;
	[smem:$0x3FB2] =	sst s0  }
0x18: {  	s0 =	sld [smem:$0x3F95];
	_ =	swait.ge [sflag:s4], $0x0  }
0x19: {  	s7 =	sld [smem:$0x3F96]  }
0x1a: {  	s8 =	sadd.s32 $0xFFFFE003, lr  }
0x1b: {  	s9 =	sadd.s32 $0xFFFFFEF7, lr;
	s5 =	simm.s32 $0xFFFFFFFF;
	p2 =	slt.u32 s8, $0xFFFFF086  }
0x1c: {  	p1 =	slt.u32 s9, $0xF7A;
	s5 =	simm.s32 @!p2 $0x0  }
0x1d: {  	s5 =	simm.s32 @p1 $0x1;
	p0 =	seq.s32 s7, s2  }
0x1e: {  	s7 =	smul.u32 @!p0 $0xF7A, s2;
	p2 =	seq.s32 @!p0 s5, $0x0  }
0x1f: {  	s9 =	smul.u32 $0xF7A, s1;
	s8 =	simm.s32 @!p0 $0x1BF5;
	p2 =	por !p2, p0  }
0x20: {  	[sflag:s8] =	ssyncset.s32 @!p0 $0xFFFFF086;
	s6 =	sadd.s32 @!p0 s3, s7;
	s7 =	simm.s32 @!p0 $0x108  }
0x21: {  	s3 =	sadd.s32 s3, s9;
	s6 =	sadd.s32 @!p0 $0x88, s6;
	s7 =	simm.s32 @p2 $0x1082  }
0x22: {  	[simem:s7], [sflag:s8] =	dma.local @!p0 [hbm:s6], $0xF7A  }
0x23: {  	s9 =	sor.u32 $0xD0000000, s2;
	s6 =	simm.s32 $0x108;
	_ =	swait.ge @!p0 [sflag:s8], $0x0  }
0x24: {  	s3 =	sadd.s32 $0x88, s3;
	s6 =	simm.s32 @!p1 $0x1082;
	[sflag:s4] =	ssyncset.s32 $0xFFFFF086  }
0x25: {  	[simem:s6], [sflag:s4] =	dma.local [hbm:s3], $0xF7A  }
0x26: {  	[smem:$0x3F96] =	sst s1;
	(tag) =	ssettag s2;
	_ =	strace s9  }
0x27: {  	s1 =	sld [smem:$0x3FA6]  }
0x28: {  	s2 =	sld [smem:$0x3FA7]  }
0x29: {  	s4 =	sld [smem:$0x3FA9]  }
0x2a: {  	p0 =	seq.s32 s5, $0x0;
	s5 =	sld [smem:$0x3FAA]  }
0x2b: {  	s6 =	sld [smem:$0x3FAB]  }
0x2c: {  	s7 =	sld [smem:$0x3FAC]  }
0x2d: {  	s3 =	simm.s32 $0x108;
	s8 =	sld [smem:$0x3FAD]  }
0x2e: {  	s3 =	simm.s32 @!p0 $0x1082;
	s9 =	sld [smem:$0x3FAE]  }
0x2f: {  	lr =	sadd.s32 s0, s3;
	s0 =	sld [smem:$0x3FA5]  }
0x30: {  	s3 =	sld [smem:$0x3FA8]  }
0x31: {  	[smem:$0x3FB1] =	sst s10  }
0x32: {  	s10 =	sld [smem:$0x3FAF];
	_ =	sdelay $0x3  }
0x33: {  	p0 =	seq.s32 s10, $0x1;
	s10 =	sld [smem:$0x3FB1];
	_ =	sdelay $0x3  }
0x34: {  	[smem:$0x3FB1] =	sst s10  }
0x35: {  	s10 =	sld [smem:$0x3FB0];
	_ =	sdelay $0x3  }
0x36: {  	p1 =	seq.s32 s10, $0x1;
	s10 =	sld [smem:$0x3FB1];
	_ =	sdelay $0x3  }
0x37: {  	[smem:$0x3FB1] =	sst s10  }
0x38: {  	s10 =	sld [smem:$0x3FB2]  }
0x39: {  	_ = 	snop;
	(pc) =	sbr.ind lr, $3  }
0x3a: {  	_ = 	snop  }
0x3b: {  	_ = 	snop  }
0x3c: {  	p2 =	seq.s32 s10, $0x1;
	s10 =	sld [smem:$0x3FB1]  }
0x3d: {  	_ =	shalt  }
0x3e: {  	_ =	shalt  }
0x3f: {  	_ =	shalt  }
0x40: {  	_ =	shalt  }
0x41: {  	_ =	shalt  }
0x42: {  	_ =	shalt  }
0x43: {  	_ =	shalt  }
0x44: {  	_ =	shalt  }
0x45: {  	_ =	shalt  }
0x46: {  	_ =	shalt  }
0x47: {  	_ =	shalt  }
0x48: {  	_ =	shalt  }
0x49: {  	_ =	shalt  }
0x4a: {  	_ =	shalt  }
0x4b: {  	_ =	shalt  }
0x4c: {  	_ =	shalt  }
0x4d: {  	_ =	shalt  }
0x4e: {  	_ =	shalt  }
0x4f: {  	_ =	shalt  }
0x50: {  	_ =	shalt  }
0x51: {  	_ =	shalt  }
0x52: {  	_ =	shalt  }
0x53: {  	_ =	shalt  }
0x54: {  	_ =	shalt  }
0x55: {  	_ =	shalt  }
0x56: {  	_ =	shalt  }
0x57: {  	_ =	shalt  }
0x58: {  	_ =	shalt  }
0x59: {  	_ =	shalt  }
0x5a: {  	_ =	shalt  }
0x5b: {  	_ =	shalt  }
0x5c: {  	_ =	shalt  }
0x5d: {  	_ =	shalt  }
0x5e: {  	_ =	shalt  }
0x5f: {  	_ =	shalt  }
0x60: {  	_ =	shalt  }
0x61: {  	_ =	shalt  }
0x62: {  	_ =	shalt  }
0x63: {  	_ =	shalt  }
0x64: {  	_ =	shalt  }
0x65: {  	_ =	shalt  }
0x66: {  	_ =	shalt  }
0x67: {  	_ =	shalt  }
0x68: {  	_ =	shalt  }
0x69: {  	_ =	shalt  }
0x6a: {  	_ =	shalt  }
0x6b: {  	_ =	shalt  }
0x6c: {  	_ =	shalt  }
0x6d: {  	_ =	shalt  }
0x6e: {  	_ =	shalt  }
0x6f: {  	_ =	shalt  }
0x70: {  	_ =	shalt  }
0x71: {  	_ =	shalt  }
0x72: {  	_ =	shalt  }
0x73: {  	_ =	shalt  }
0x74: {  	_ =	shalt  }
0x75: {  	_ =	shalt  }
0x76: {  	_ =	shalt  }
0x77: {  	_ =	shalt  }
0x78: {  	_ =	shalt  }
0x79: {  	_ =	shalt  }
0x7a: {  	_ =	shalt  }
0x7b: {  	_ =	shalt  }
0x7c: {  	_ =	shalt  }
0x7d: {  	_ =	shalt  }
0x7e: {  	_ =	shalt  }
0x7f: {  	_ =	shalt  }
0x80: {  	_ =	shalt  }
0x81: {  	_ =	shalt  }
0x82: {  	_ =	shalt  }
0x83: {  	_ =	shalt  }
0x84: {  	_ =	shalt  }
0x85: {  	_ =	shalt  }
0x86: {  	_ =	shalt  }
0x87: {  	_ =	shalt  }
.Lfunc_end0:
.L_simem_size_0:
called_computation_lowered:
.L_overlay_start_0:
0x88: {  	s2 =	sld [smem:$0x3FD9]  }
0x89: {  	s3 =	sld [smem:$0x3FFE];
	_ =	sdelay $0x1  }
0x8a: {  	s1 =	srdreg.scid  }
0x8b: {  	s0 =	sand.u32 $0x1, s1  }
0x8c: {  	s16 =	sshll.u32 s0, $0xA;
	s2 =	sadd.s32 s3, s2  }
0x8d: {  	s2 =	sadd.s32 s2, s16  }
0x8e: {  	[smem:$0x3FBD] =	sst s2  }
0x8f: {  	_ = 	snop  }
0x90: {  	(tm) =	ssettm $0x1  }
0x91: {  	s17 =	sld [smem:$0x3FFB];
	_ =	sdelay $0x3  }
0x92: {  	_ =	strace s17  }
0x93: {  	s2 =	sld [smem:$0x3FFC];
	_ =	sdelay $0x3  }
0x94: {  	_ =	strace s2  }
0x95: {  	s2 =	sld [smem:$0x3FFD];
	_ =	sdelay $0x3  }
0x96: {  	_ =	strace s2  }
0x97: {  	_ =	strace $0x8FFFFFFF  }
0x98: {  	s18 =	sld [smem:$0x3FDB];
	_ =	sdelay $0x1  }
0x99: {  	s19 =	simm.s32 $_scs_section_size  }
0x9a: {  	s4 =	simm.s32 $_size__tile_overlayer_lowered;
	s5 =	simm.s32 $_tile_overlayer_lowered  }
0x9b: {  	s22 =	simm.s32 $0x1BFF;
	s21 =	sshll.u32 s5, $0x1;
	s2 =	sadd.s32 s19, s18  }
0x9c: {  	s6 =	simm.s32 $0x0;
	s20 =	sshll.u32 s4, $0x1;
	s4 =	sadd.s32 s21, s2  }
0x9d: {  	[timem:s6], [sflag:s22] =	dma.local [hbm:s4], s20  }
0x9e: {  	_ =	swait.ge [sflag:s22], s20  }
0x9f: {  	s3 =	ssub.s32 $0x0, s20;
	[sflag:s22] =	ssyncset.done $0x0  }
0xa0: {  	[sflag:s22] =	ssyncadd.s32 s3;
	_ =	sdelay $0x1  }
0xa1: {  	s23 =	simm.s32 $0x1B8B  }
0xa2: {  	_ =	swait.ge [sflag:s23], $0x1  }
0xa3: {  	[sflag:s23] =	ssyncset.done $0x0  }
0xa4: {  	s25 =	simm.s32 $0x1B8E;
	s24 =	sld [smem:$0x3FFE];
	[sflag:s23] =	ssyncadd.s32 $0xFFFFFFFF  }
0xa5: {  	s26 =	simm.s32 $execute0_lowered;
	[smem:$0x3FD2] =	sst s25  }
0xa6: {  	s4 =	sshll.u32 s26, $0x1;
	_ =	strace $0x80000046;
	[dreg:$0x1] =	wrdreg $0xFFFFFFFF  }
0xa7: {  	s28 =	simm.s32 $_size_execute0_lowered;
	s2 =	sadd.s32 s2, s4;
	[dreg:$0x0] =	wrdreg $0x0  }
0xa8: {  	s4 =	sshll.u32 s28, $0x1;
	[dreg:$0x2] =	wrdreg s2  }
0xa9: {  	[dreg:$0x3] =	wrdreg s4  }
0xaa: {  	[dreg:$0x4] =	wrdreg $0xC0  }
0xab: {  	_ =	task [dreg:s6], $0x5FFFF  }
0xac: {  	[dreg:$0x1] =	wrdreg $0xFFFFFFFF  }
0xad: {  	[dreg:$0x0] =	wrdreg $0x60  }
0xae: {  	[dreg:$0x2] =	wrdreg s24  }
0xaf: {  	[dreg:$0x3] =	wrdreg $0x68000  }
0xb0: {  	[dreg:$0x4] =	wrdreg $0x9  }
0xb1: {  	_ =	task.clear_ibuf [dreg:s6], $0x5FFFF;
	_ =	strace $0x90000046  }
0xb2: {  	s29 =	simm.s32 $0x9;
	_ =	strace $0x80000048  }
0xb3: {  	_ =	swait.ge [sflag:s29], $0x1  }
0xb4: {  	[sflag:s29] =	ssyncadd.s32 $0xFFFFFFFF  }
0xb5: {  	_ =	strace $0x90000048  }
0xb6: {  	_ =	sfence  }
0xb7: {  	s30 =	sld [smem:$0x0];
	_ =	sdelay $0x2  }
0xb8: {  	s31 =	sshll.u32 s1, $0xD;
	s1 =	sshrl.u32 s1, $0x2  }
0xb9: {  	s3 =	sand.u32 $0x4000, s31;
	s1 =	sadd.s32 s1, s30  }
0xba: {  	s0 =	sor.u32 s3, s0;
	s1 =	sshll.u32 s1, $0x11  }
0xbb: {  	s0 =	sor.u32 s1, s0  }
0xbc: {  	s0 =	sadd.s32 $0x8F2B, s0  }
0xbd: {  	[sflag:s0] =	ssyncadd.remote.s32 $0x1  }
0xbe: {  	_ =	sfence.sel $0xFFFF  }
0xbf: {  	[dreg:$0x0] =	wrdreg $0xFFFFFFFF;
	(pc) =	sbr.abs _section_cstart, $3  }
0xc0: {  	[dreg:$0x1] =	wrdreg $0xFFFFFFFF  }
0xc1: {  	_ =	task.clear_ibuf [dreg:s6], $0x2FFFF;
	_ =	strace $0x9FFFFFFF  }
0xc2: {  	(tm) =	ssettm $0x7FFFFFFF  }
0xc3: {  	_ =	shalt  }
tec
execute0_lowered:
.L_overlay_start_1:
0x0: {  	(tag) =	ssettag $0x1  }
0x1: {  	s5 =	rddreg [dreg:$0x0]  }
0x2: {  	s2 =	rddreg [dreg:$0x1]  }
0x3: {  	s0 =	rddreg [dreg:$0x2]  }
0x4: {  	s4 =	srdreg.scid;
	s1 =	stileid.u32  }
0x5: {  	s3 =	simm.s32 $0x0;
	s14 =	simm.s32 $0x0;
	s7 =	smul.u32 $0x14000, s1  }
0x6: {  	s6 =	sand.u32 $0x1, s4;
	[smem:$0x7FF] =	sst s3;
	s26 =	smul.u32 $0x50000, s1  }
0x7: {  	s11 =	sshll.u32 s1, $0xC;
	s31 =	sshll.u32 s1, $0x6;
	s4 =	sshll.u32 s6, $0xB  }
0x8: {  	s8 =	smul.u32 $0x140000, s6;
	_ =	strace $0x80000047;
	s6 =	ssub.s32 $0x2, s6  }
0x9: {  	s9 =	sadd.s32 s4, s5;
	s10 =	sshrl.u32 s7, $0x3;
	s4 =	sadd.s32 $0x3D000, s5  }
0xa: {  	s28 =	sshrl.u32 s6, $0x1;
	s30 =	sshrl.u32 s26, $0x2;
	s10 =	sadd.s32 s10, s5  }
0xb: {  	s7 =	sadd.s32 s7, s8;
	s12 =	ssub.s32 s6, s28;
	s29 =	sadd.s32 s11, s9  }
0xc: {  	s13 =	sadd.s32 s30, s2;
	s9 =	simm.s32 $0x4000;
	s11 =	sor.u32 $0x1C01, s31  }
0xd: {  	s7 =	sshrl.u32 s7, $0x3;
	s6 =	sadd.s32 $0x15000, s10;
	s8 =	smax.u32 s12, $0x1  }
0xe: {  	s10 =	simm.s32 $0x1;
	s12 =	sshrl.u32 s13, $0x3;
	s7 =	sadd.s32 s7, s5  }
0xf: {  	s13 =	simm.s32 $0x50;
	s5 =	sadd.s32 $0x5000, s29;
	s7 =	sadd.s32 $0x3D600, s7  }
.LBB2_1:
0x10: {  	[tilespmem:s9], [sflag:$0x1] =	stream.linear.gather [hbm4b:s4+s3], $0x2800, $0x38;
	[tilespmem:$0x1A800] =	vst v63  }
0x11: {  	_ =	swait.ge [sflag:s10], $0x2800  }
0x12: {  	[sflag:s10] =	ssyncset.done $0x0  }
0x13: {  	[sflag:s10] =	ssyncadd.s32 $0xFFFFD800  }
0x14: {  	[tilespmem:s3], [sflag:$0x1] =	stream.linear.gather [hbm4b:s5+s3], $0x3E80, $0x38;
	[tilespmem:$0x1A800] =	vst v63  }
0x15: {  	_ =	swait.ge [sflag:s10], $0x3E80  }
0x16: {  	[sflag:s10] =	ssyncset.done $0x0  }
0x17: {  	[sflag:s10] =	ssyncadd.s32 $0xFFFFC180  }
0x18: {  	[spmem:s12], [sflag:s11] =	dma.local [hbm:s6], $0x2800  }
0x19: {  	_ =	swait.ge [sflag:s10], $0x2800  }
0x1a: {  	[sflag:s10] =	ssyncset.done $0x0  }
0x1b: {  	[sflag:s10] =	ssyncadd.s32 $0xFFFFD800  }
0x1c: {  	s15 =	simm.s32 $0x0;
	[bflag:$0x0] =	sbarrier.arrive $0xFFFF  }
0x1d: {  	[spmem:s2] =	stream.indirect.scatter.add.f32 [tilespmem:s9], [sflag:$0x1], $0x80, s15, s13, $0xb8;
	[tilespmem:$0x1A800] =	vst v63  }
0x1e: {  	_ =	swait.ge [sflag:s10], $0x2800  }
0x1f: {  	s15 =	simm.s32 $0x200;
	[sflag:s10] =	ssyncset.done $0x0  }
.LBB2_2:
0x20: {  	s16 =	sshra.s32 s15, $0x2;
	[sflag:s10] =	ssyncadd.s32 $0xFFFFD800;
	p0 =	sne.s32 s15, $0xF800  }
0x21: {  	[spmem:s2] =	stream.indirect.scatter.add.f32 [tilespmem:s9], [sflag:$0x1], $0x80, s16, s13, $0xb8;
	[tilespmem:$0x1A800] =	vst v63  }
.Ltmp0:
0x22: {  	_ = 	snop;
	(pc) =	sbr.rel @p0 .LBB2_2-.Ltmp0, $4  }
0x23: {  	_ = 	snop  }
0x24: {  	s15 =	sadd.s32 $0x200, s15  }
0x25: {  	_ =	swait.ge [sflag:s10], $0x2800  }
0x26: {  	[sflag:s10] =	ssyncset.done $0x0  }
0x27: {  	s14 =	sadd.s32 $0x1, s14  }
0x28: {  	[sflag:s10] =	ssyncadd.s32 $0xFFFFD800;
	p0 =	sne.s32 s14, s8  }
.Ltmp1:
0x29: {  	[bflag:$0x0] =	sbarrier.arrive $0xFFFF;
	(pc) =	sbr.rel @p0 .LBB2_1-.Ltmp1, $4  }
0x2a: {  	[hbm:s7], [sflag:s11] =	dma.local [spmem:s12], $0x2800  }
0x2b: {  	_ =	swait.ge [sflag:s10], $0x2800  }
0x2c: {  	[sflag:s10] =	ssyncset.done $0x0  }
0x2d: {  	[sflag:s10] =	ssyncadd.s32 $0xFFFFD800  }
0x2e: {  	_ =	sfence.sel $0x180000  }
0x2f: {  	[bflag:$0x0] =	sbarrier.arrive $0xFFFF  }
0x30: {  	p0 =	sne.s32 s1, $0x0;
	_ =	strace $0x90000047  }
0x31: {  	s0 =	sadd.s32 @!p0 $0x100000, s0;
	[bflag:$0x2] =	sbarrier.arrive $0xFFFF  }
0x32: {  	[sflag:s0] =	ssyncadd.tile.s32 @!p0 $0x1;
	_ =	shalt  }
.Lfunc_end2:
_tile_overlayer_lowered:
.L_overlay_start_2:
0x33: {  	(tag) =	ssettag $0x2  }
0x34: {  	s0 =	rddreg [dreg:$0x0];
	s2 =	stileid.u32  }
0x35: {  	s1 =	rddreg [dreg:$0x1];
	p0 =	sne.s32 s2, $0x0  }
0x36: {  	s3 =	rddreg [dreg:$0x2];
	[bflag:$0x3] =	sbarrier.arrive $0xFFFF;
	s2 =	simm.s32 @!p0 $0x1C01  }
0x37: {  	[timem:s3], [sflag:s2] =	dma.local @!p0 [hbm:s0], s1  }
0x38: {  	s0 =	simm.s32 @!p0 $0x1  }
0x39: {  	_ =	swait.ge @!p0 [sflag:s0], s1  }
0x3a: {  	s1 =	ssub.s32 @!p0 $0x0, s1;
	[sflag:s0] =	ssyncset.done @!p0 $0x0  }
0x3b: {  	[sflag:s0] =	ssyncadd.s32 @!p0 s1  }
0x3c: {  	[bflag:$0x3] =	sbarrier.arrive $0xFFFF  }
0x3d: {  	_ =	shalt  }

// kernel: kernel.13.cloned.1.call-start
scs
__scs_entry_jumppad:
0x0: {  	(pc) =	sbr.rel $0x88, $3  }
0x1: {  	(tag) =	ssettag $0x0;
	lr =	simm.s32 $0x1  }
0x2: {  	[smem:$0x3F96] =	sst lr;
	_ =	strace $0xD0000000  }
0x3: {  	_ = 	snop  }
0x4: {  	_ = 	snop  }
0x5: {  	_ = 	snop  }
0x6: {  	_ = 	snop  }
0x7: {  	_ = 	snop  }
__scs_overlays_trampoline_lowered:
0x8: {  	[smem:$0x3FA5] =	sst s0  }
0x9: {  	[smem:$0x3FA6] =	sst s1  }
0xa: {  	[smem:$0x3FA7] =	sst s2  }
0xb: {  	[smem:$0x3FA8] =	sst s3  }
0xc: {  	[smem:$0x3FA9] =	sst s4  }
0xd: {  	[smem:$0x3FAA] =	sst s5  }
0xe: {  	[smem:$0x3FAB] =	sst s6  }
0xf: {  	[smem:$0x3FAC] =	sst s7  }
0x10: {  	[smem:$0x3FAD] =	sst s8  }
0x11: {  	[smem:$0x3FAE] =	sst s9;
	s0 =	simm.s32 @!p0 $0x0  }
0x12: {  	s1 =	sld [smem:$0x3F94];
	s0 =	simm.s32 @p0 $0x1  }
0x13: {  	[smem:$0x3FAF] =	sst s0;
	s0 =	simm.s32 @!p1 $0x0  }
0x14: {  	s2 =	sld [smem:$0x3F93];
	s0 =	simm.s32 @p1 $0x1  }
0x15: {  	[smem:$0x3FB0] =	sst s0;
	s0 =	simm.s32 @!p2 $0x0  }
0x16: {  	s3 =	sld [smem:$0x3FDB];
	s0 =	simm.s32 @p2 $0x1  }
0x17: {  	s4 =	simm.s32 $0x1BF5;
	[smem:$0x3FB2] =	sst s0  }
0x18: {  	s0 =	sld [smem:$0x3F95];
	_ =	swait.ge [sflag:s4], $0x0  }
0x19: {  	s7 =	sld [smem:$0x3F96]  }
0x1a: {  	s8 =	sadd.s32 $0xFFFFE003, lr  }
0x1b: {  	s9 =	sadd.s32 $0xFFFFFEF7, lr;
	s5 =	simm.s32 $0xFFFFFFFF;
	p2 =	slt.u32 s8, $0xFFFFF086  }
0x1c: {  	p1 =	slt.u32 s9, $0xF7A;
	s5 =	simm.s32 @!p2 $0x0  }
0x1d: {  	s5 =	simm.s32 @p1 $0x1;
	p0 =	seq.s32 s7, s2  }
0x1e: {  	s7 =	smul.u32 @!p0 $0xF7A, s2;
	p2 =	seq.s32 @!p0 s5, $0x0  }
0x1f: {  	s9 =	smul.u32 $0xF7A, s1;
	s8 =	simm.s32 @!p0 $0x1BF5;
	p2 =	por !p2, p0  }
0x20: {  	[sflag:s8] =	ssyncset.s32 @!p0 $0xFFFFF086;
	s6 =	sadd.s32 @!p0 s3, s7;
	s7 =	simm.s32 @!p0 $0x108  }
0x21: {  	s3 =	sadd.s32 s3, s9;
	s6 =	sadd.s32 @!p0 $0x88, s6;
	s7 =	simm.s32 @p2 $0x1082  }
0x22: {  	[simem:s7], [sflag:s8] =	dma.local @!p0 [hbm:s6], $0xF7A  }
0x23: {  	s9 =	sor.u32 $0xD0000000, s2;
	s6 =	simm.s32 $0x108;
	_ =	swait.ge @!p0 [sflag:s8], $0x0  }
0x24: {  	s3 =	sadd.s32 $0x88, s3;
	s6 =	simm.s32 @!p1 $0x1082;
	[sflag:s4] =	ssyncset.s32 $0xFFFFF086  }
0x25: {  	[simem:s6], [sflag:s4] =	dma.local [hbm:s3], $0xF7A  }
0x26: {  	[smem:$0x3F96] =	sst s1;
	(tag) =	ssettag s2;
	_ =	strace s9  }
0x27: {  	s1 =	sld [smem:$0x3FA6]  }
0x28: {  	s2 =	sld [smem:$0x3FA7]  }
0x29: {  	s4 =	sld [smem:$0x3FA9]  }
0x2a: {  	p0 =	seq.s32 s5, $0x0;
	s5 =	sld [smem:$0x3FAA]  }
0x2b: {  	s6 =	sld [smem:$0x3FAB]  }
0x2c: {  	s7 =	sld [smem:$0x3FAC]  }
0x2d: {  	s3 =	simm.s32 $0x108;
	s8 =	sld [smem:$0x3FAD]  }
0x2e: {  	s3 =	simm.s32 @!p0 $0x1082;
	s9 =	sld [smem:$0x3FAE]  }
0x2f: {  	lr =	sadd.s32 s0, s3;
	s0 =	sld [smem:$0x3FA5]  }
0x30: {  	s3 =	sld [smem:$0x3FA8]  }
0x31: {  	[smem:$0x3FB1] =	sst s10  }
0x32: {  	s10 =	sld [smem:$0x3FAF];
	_ =	sdelay $0x3  }
0x33: {  	p0 =	seq.s32 s10, $0x1;
	s10 =	sld [smem:$0x3FB1];
	_ =	sdelay $0x3  }
0x34: {  	[smem:$0x3FB1] =	sst s10  }
0x35: {  	s10 =	sld [smem:$0x3FB0];
	_ =	sdelay $0x3  }
0x36: {  	p1 =	seq.s32 s10, $0x1;
	s10 =	sld [smem:$0x3FB1];
	_ =	sdelay $0x3  }
0x37: {  	[smem:$0x3FB1] =	sst s10  }
0x38: {  	s10 =	sld [smem:$0x3FB2]  }
0x39: {  	_ = 	snop;
	(pc) =	sbr.ind lr, $3  }
0x3a: {  	_ = 	snop  }
0x3b: {  	_ = 	snop  }
0x3c: {  	p2 =	seq.s32 s10, $0x1;
	s10 =	sld [smem:$0x3FB1]  }
0x3d: {  	_ =	shalt  }
0x3e: {  	_ =	shalt  }
0x3f: {  	_ =	shalt  }
0x40: {  	_ =	shalt  }
0x41: {  	_ =	shalt  }
0x42: {  	_ =	shalt  }
0x43: {  	_ =	shalt  }
0x44: {  	_ =	shalt  }
0x45: {  	_ =	shalt  }
0x46: {  	_ =	shalt  }
0x47: {  	_ =	shalt  }
0x48: {  	_ =	shalt  }
0x49: {  	_ =	shalt  }
0x4a: {  	_ =	shalt  }
0x4b: {  	_ =	shalt  }
0x4c: {  	_ =	shalt  }
0x4d: {  	_ =	shalt  }
0x4e: {  	_ =	shalt  }
0x4f: {  	_ =	shalt  }
0x50: {  	_ =	shalt  }
0x51: {  	_ =	shalt  }
0x52: {  	_ =	shalt  }
0x53: {  	_ =	shalt  }
0x54: {  	_ =	shalt  }
0x55: {  	_ =	shalt  }
0x56: {  	_ =	shalt  }
0x57: {  	_ =	shalt  }
0x58: {  	_ =	shalt  }
0x59: {  	_ =	shalt  }
0x5a: {  	_ =	shalt  }
0x5b: {  	_ =	shalt  }
0x5c: {  	_ =	shalt  }
0x5d: {  	_ =	shalt  }
0x5e: {  	_ =	shalt  }
0x5f: {  	_ =	shalt  }
0x60: {  	_ =	shalt  }
0x61: {  	_ =	shalt  }
0x62: {  	_ =	shalt  }
0x63: {  	_ =	shalt  }
0x64: {  	_ =	shalt  }
0x65: {  	_ =	shalt  }
0x66: {  	_ =	shalt  }
0x67: {  	_ =	shalt  }
0x68: {  	_ =	shalt  }
0x69: {  	_ =	shalt  }
0x6a: {  	_ =	shalt  }
0x6b: {  	_ =	shalt  }
0x6c: {  	_ =	shalt  }
0x6d: {  	_ =	shalt  }
0x6e: {  	_ =	shalt  }
0x6f: {  	_ =	shalt  }
0x70: {  	_ =	shalt  }
0x71: {  	_ =	shalt  }
0x72: {  	_ =	shalt  }
0x73: {  	_ =	shalt  }
0x74: {  	_ =	shalt  }
0x75: {  	_ =	shalt  }
0x76: {  	_ =	shalt  }
0x77: {  	_ =	shalt  }
0x78: {  	_ =	shalt  }
0x79: {  	_ =	shalt  }
0x7a: {  	_ =	shalt  }
0x7b: {  	_ =	shalt  }
0x7c: {  	_ =	shalt  }
0x7d: {  	_ =	shalt  }
0x7e: {  	_ =	shalt  }
0x7f: {  	_ =	shalt  }
0x80: {  	_ =	shalt  }
0x81: {  	_ =	shalt  }
0x82: {  	_ =	shalt  }
0x83: {  	_ =	shalt  }
0x84: {  	_ =	shalt  }
0x85: {  	_ =	shalt  }
0x86: {  	_ =	shalt  }
0x87: {  	_ =	shalt  }
.Lfunc_end0:
.L_simem_size_0:
called_computation.1_lowered:
.L_overlay_start_0:
0x88: {  	s2 =	sld [smem:$0x3FD9]  }
0x89: {  	s3 =	sld [smem:$0x3FFE];
	_ =	sdelay $0x1  }
0x8a: {  	s1 =	srdreg.scid  }
0x8b: {  	s0 =	sand.u32 $0x1, s1  }
0x8c: {  	s16 =	sshll.u32 s0, $0xA;
	s2 =	sadd.s32 s3, s2  }
0x8d: {  	s2 =	sadd.s32 s2, s16  }
0x8e: {  	[smem:$0x3FBD] =	sst s2  }
0x8f: {  	_ = 	snop  }
0x90: {  	(tm) =	ssettm $0x1  }
0x91: {  	s17 =	sld [smem:$0x3FFB];
	_ =	sdelay $0x3  }
0x92: {  	_ =	strace s17  }
0x93: {  	s2 =	sld [smem:$0x3FFC];
	_ =	sdelay $0x3  }
0x94: {  	_ =	strace s2  }
0x95: {  	s2 =	sld [smem:$0x3FFD];
	_ =	sdelay $0x3  }
0x96: {  	_ =	strace s2  }
0x97: {  	_ =	strace $0x8FFFFFFF  }
0x98: {  	s18 =	sld [smem:$0x3FDB];
	_ =	sdelay $0x1  }
0x99: {  	s19 =	simm.s32 $_scs_section_size  }
0x9a: {  	s4 =	simm.s32 $_size__tile_overlayer_lowered;
	s5 =	simm.s32 $_tile_overlayer_lowered  }
0x9b: {  	s22 =	simm.s32 $0x1BFF;
	s21 =	sshll.u32 s5, $0x1;
	s2 =	sadd.s32 s19, s18  }
0x9c: {  	s6 =	simm.s32 $0x0;
	s20 =	sshll.u32 s4, $0x1;
	s4 =	sadd.s32 s21, s2  }
0x9d: {  	[timem:s6], [sflag:s22] =	dma.local [hbm:s4], s20  }
0x9e: {  	_ =	swait.ge [sflag:s22], s20  }
0x9f: {  	s3 =	ssub.s32 $0x0, s20;
	[sflag:s22] =	ssyncset.done $0x0  }
0xa0: {  	[sflag:s22] =	ssyncadd.s32 s3;
	_ =	sdelay $0x1  }
0xa1: {  	s23 =	simm.s32 $0x1B8B  }
0xa2: {  	_ =	swait.ge [sflag:s23], $0x1  }
0xa3: {  	[sflag:s23] =	ssyncset.done $0x0  }
0xa4: {  	s25 =	simm.s32 $0x1B8E;
	s24 =	sld [smem:$0x3FFE];
	[sflag:s23] =	ssyncadd.s32 $0xFFFFFFFF  }
0xa5: {  	s26 =	simm.s32 $execute0_lowered;
	[smem:$0x3FD2] =	sst s25  }
0xa6: {  	s4 =	sshll.u32 s26, $0x1;
	_ =	strace $0x80000049;
	[dreg:$0x1] =	wrdreg $0xFFFFFFFF  }
0xa7: {  	s28 =	simm.s32 $_size_execute0_lowered;
	s2 =	sadd.s32 s2, s4;
	[dreg:$0x0] =	wrdreg $0x0  }
0xa8: {  	s4 =	sshll.u32 s28, $0x1;
	[dreg:$0x2] =	wrdreg s2  }
0xa9: {  	[dreg:$0x3] =	wrdreg s4  }
0xaa: {  	[dreg:$0x4] =	wrdreg $0xC0  }
0xab: {  	_ =	task [dreg:s6], $0x5FFFF  }
0xac: {  	[dreg:$0x1] =	wrdreg $0xFFFFFFFF  }
0xad: {  	[dreg:$0x0] =	wrdreg $0x60  }
0xae: {  	[dreg:$0x2] =	wrdreg s24  }
0xaf: {  	[dreg:$0x3] =	wrdreg $0x70000  }
0xb0: {  	[dreg:$0x4] =	wrdreg $0x9  }
0xb1: {  	_ =	task.clear_ibuf [dreg:s6], $0x5FFFF;
	_ =	strace $0x90000049  }
0xb2: {  	s29 =	simm.s32 $0x9;
	_ =	strace $0x8000004B  }
0xb3: {  	_ =	swait.ge [sflag:s29], $0x1  }
0xb4: {  	[sflag:s29] =	ssyncadd.s32 $0xFFFFFFFF  }
0xb5: {  	_ =	strace $0x9000004B  }
0xb6: {  	_ =	sfence  }
0xb7: {  	s30 =	sld [smem:$0x0];
	_ =	sdelay $0x2  }
0xb8: {  	s31 =	sshll.u32 s1, $0xD;
	s1 =	sshrl.u32 s1, $0x2  }
0xb9: {  	s3 =	sand.u32 $0x4000, s31;
	s1 =	sadd.s32 s1, s30  }
0xba: {  	s0 =	sor.u32 s3, s0;
	s1 =	sshll.u32 s1, $0x11  }
0xbb: {  	s0 =	sor.u32 s1, s0  }
0xbc: {  	s0 =	sadd.s32 $0x8F2B, s0  }
0xbd: {  	[sflag:s0] =	ssyncadd.remote.s32 $0x1  }
0xbe: {  	_ =	sfence.sel $0xFFFF  }
0xbf: {  	[dreg:$0x0] =	wrdreg $0xFFFFFFFF;
	(pc) =	sbr.abs _section_cstart, $3  }
0xc0: {  	[dreg:$0x1] =	wrdreg $0xFFFFFFFF  }
0xc1: {  	_ =	task.clear_ibuf [dreg:s6], $0x2FFFF;
	_ =	strace $0x9FFFFFFF  }
0xc2: {  	(tm) =	ssettm $0x7FFFFFFF  }
0xc3: {  	_ =	shalt  }
tec
execute0_lowered:
.L_overlay_start_1:
0x0: {  	(tag) =	ssettag $0x1  }
0x1: {  	s7 =	rddreg [dreg:$0x0]  }
0x2: {  	s2 =	rddreg [dreg:$0x1]  }
0x3: {  	s0 =	rddreg [dreg:$0x2]  }
0x4: {  	s3 =	simm.s32 $0x0;
	s1 =	stileid.u32;
	s4 =	srdreg.scid  }
0x5: {  	s15 =	simm.s32 $0x50;
	s16 =	simm.s32 $0x2000;
	s17 =	simm.s32 $0x4800  }
0x6: {  	s18 =	simm.s32 $0x1;
	s19 =	simm.s32 $0x2;
	s20 =	simm.s32 $0x1C00  }
0x7: {  	[smem:$0x7FF] =	sst s3;
	s8 =	smul.u32 $0x14000, s1;
	s9 =	sand.u32 $0x1, s4  }
0x8: {  	s4 =	sadd.s32 $0x3D000, s7;
	s5 =	sadd.s32 $0xA1600, s7;
	s6 =	sadd.s32 $0x8D600, s7  }
0x9: {  	s13 =	smul.u32 $0x50000, s1;
	s29 =	sshll.u32 s1, $0x1;
	s31 =	sshll.u32 s1, $0x6  }
0xa: {  	_ =	strace $0x8000004A;
	s10 =	smul.u32 $0x140000, s9;
	s28 =	ssub.s32 $0x2, s9  }
0xb: {  	s9 =	sor.u32 s9, s29;
	s11 =	sshrl.u32 s8, $0x3;
	s12 =	sshrl.u32 s28, $0x1  }
0xc: {  	s30 =	sshrl.u32 s13, $0x2;
	s9 =	smul.u32 $0x5000, s9;
	s8 =	sadd.s32 s8, s10  }
0xd: {  	s11 =	sadd.s32 s11, s7;
	s12 =	ssub.s32 s28, s12;
	s8 =	sshrl.u32 s8, $0x3  }
0xe: {  	s13 =	sadd.s32 s30, s2;
	s14 =	sadd.s32 s8, s7;
	s7 =	sadd.s32 $0x15000, s11  }
0xf: {  	s8 =	sor.u32 $0x1C03, s31;
	s11 =	smax.u32 s12, $0x1;
	s12 =	sshrl.u32 s13, $0x3  }
0x10: {  	s13 =	simm.s32 $0x3;
	s10 =	sadd.s32 $0xB5600, s14;
	s14 =	simm.s32 $0x1000  }
.LBB2_1:
0x11: {  	[spmem:s12], [sflag:s8] =	dma.local [hbm:s7], $0x2800  }
0x12: {  	_ =	swait.ge [sflag:s13], $0x2800  }
0x13: {  	[sflag:s13] =	ssyncset.done $0x0  }
0x14: {  	[sflag:s13] =	ssyncadd.s32 $0xFFFFD800  }
0x15: {  	s21 =	simm.s32 $0x0;
	[bflag:$0x0] =	sbarrier.arrive $0xFFFF  }
.LBB2_2:
0x16: {  	s22 =	sshll.u32 s21, $0xC  }
0x17: {  	s22 =	sadd.s32 s9, s22  }
0x18: {  	s22 =	sshrl.u32 s22, $0x3  }
0x19: {  	s24 =	simm.s32 $0x0;
	s23 =	sadd.s32 s5, s22  }
0x1a: {  	[tilespmem:s24], [sflag:$0x3] =	stream.linear.gather [hbm4b:s23+s24], $0xC80, $0x38;
	[tilespmem:$0x1B000] =	vst v63  }
0x1b: {  	_ =	swait.ge [sflag:s13], $0xC80  }
0x1c: {  	[sflag:s13] =	ssyncset.done $0x0  }
0x1d: {  	s22 =	sadd.s32 s6, s22;
	[sflag:s13] =	ssyncadd.s32 $0xFFFFF380  }
0x1e: {  	[tilespmem:s14], [sflag:$0x3] =	stream.linear.gather [hbm4b:s22+s24], $0xC80, $0x38;
	[tilespmem:$0x1B000] =	vst v63  }
0x1f: {  	_ =	swait.ge [sflag:s13], $0xC80  }
0x20: {  	[sflag:s13] =	ssyncset.done $0x0  }
0x21: {  	[sflag:s13] =	ssyncadd.s32 $0xFFFFF380  }
0x22: {  	[tilespmem:s16], [sflag:$0x1] =	stream.indirect.gather [hbm4b:s4+s15], $0x80, s24, s15, $0xb8;
	[tilespmem:$0x1B000] =	vst v63  }
0x23: {  	s28 =	simm.s32 $0x80  }
0x24: {  	[tilespmem:s17], [sflag:$0x2] =	stream.indirect.gather [hbm4b:s4+s15], $0x80, s28, s15, $0xb8;
	[tilespmem:$0x1B000] =	vst v63  }
0x25: {  	_ =	swait.ge [sflag:s18], $0x2800  }
0x26: {  	[sflag:s18] =	ssyncset.done $0x0  }
0x27: {  	s29 =	simm.s32 $0x1000;
	[sflag:s18] =	ssyncadd.s32 $0xFFFFD800  }
0x28: {  	[spmem:s2] =	stream.indirect.scatter.add.f32 [tilespmem:s16], [sflag:$0x3], $0x80, s29, s15, $0xb8;
	[tilespmem:$0x1B000] =	vst v63  }
0x29: {  	_ =	swait.ge [sflag:s13], $0x2800  }
0x2a: {  	[sflag:s13] =	ssyncset.done $0x0  }
0x2b: {  	s30 =	simm.s32 $0x100;
	[sflag:s13] =	ssyncadd.s32 $0xFFFFD800  }
0x2c: {  	[tilespmem:s16], [sflag:$0x1] =	stream.indirect.gather [hbm4b:s4+s15], $0x80, s30, s15, $0xb8;
	[tilespmem:$0x1B000] =	vst v63  }
0x2d: {  	_ =	swait.ge [sflag:s19], $0x2800  }
0x2e: {  	[sflag:s19] =	ssyncset.done $0x0  }
0x2f: {  	s31 =	simm.s32 $0x1080;
	[sflag:s19] =	ssyncadd.s32 $0xFFFFD800  }
0x30: {  	[spmem:s2] =	stream.indirect.scatter.add.f32 [tilespmem:s17], [sflag:$0x3], $0x80, s31, s15, $0xb8;
	[tilespmem:$0x1B000] =	vst v63  }
0x31: {  	_ =	swait.ge [sflag:s13], $0x2800  }
0x32: {  	s23 =	simm.s32 $0x800;
	s22 =	simm.s32 $0x100;
	[sflag:s13] =	ssyncset.done $0x0  }
.LBB2_3:
0x33: {  	s24 =	sadd.s32 $0x80, s22  }
0x34: {  	[sflag:s13] =	ssyncadd.s32 $0xFFFFD800;
	s25 =	smov.u32 s23;
	s26 =	sadd.s32 $0x400, s23  }
0x35: {  	[tilespmem:s17], [sflag:$0x2] =	stream.indirect.gather [hbm4b:s4+s15], $0x80, s24, s15, $0xb8;
	[tilespmem:$0x1B000] =	vst v63  }
0x36: {  	p0 =	sne.s32 s23, $0x2C00;
	_ =	swait.ge [sflag:s18], $0x2800  }
0x37: {  	[sflag:s18] =	ssyncset.done $0x0  }
0x38: {  	s23 =	sadd.s32 $0x1000, s22;
	[sflag:s18] =	ssyncadd.s32 $0xFFFFD800  }
0x39: {  	[spmem:s2] =	stream.indirect.scatter.add.f32 [tilespmem:s16], [sflag:$0x3], $0x80, s23, s15, $0xb8;
	[tilespmem:$0x1B000] =	vst v63  }
0x3a: {  	_ =	swait.ge [sflag:s13], $0x2800  }
0x3b: {  	[sflag:s13] =	ssyncset.done $0x0  }
0x3c: {  	s23 =	sadd.s32 $0x100, s22;
	[sflag:s13] =	ssyncadd.s32 $0xFFFFD800  }
0x3d: {  	[tilespmem:s16], [sflag:$0x1] =	stream.indirect.gather [hbm4b:s4+s15], $0x80, s23, s15, $0xb8;
	[tilespmem:$0x1B000] =	vst v63  }
0x3e: {  	_ =	swait.ge [sflag:s19], $0x2800  }
.Ltmp0:
0x3f: {  	[sflag:s19] =	ssyncset.done $0x0;
	(pc) =	sbr.rel @p0 .LBB2_3-.Ltmp0, $4  }
0x40: {  	s22 =	sadd.s32 $0x1080, s22;
	[sflag:s19] =	ssyncadd.s32 $0xFFFFD800  }
0x41: {  	[spmem:s2] =	stream.indirect.scatter.add.f32 [tilespmem:s17], [sflag:$0x3], $0x80, s22, s15, $0xb8;
	[tilespmem:$0x1B000] =	vst v63  }
0x42: {  	_ =	swait.ge [sflag:s13], $0x2800  }
0x43: {  	s23 =	smov.u32 s26;
	s22 =	sshra.s32 s25, $0x2;
	[sflag:s13] =	ssyncset.done $0x0  }
0x44: {  	s23 =	sadd.s32 $0x80, s22;
	[sflag:s13] =	ssyncadd.s32 $0xFFFFD800  }
0x45: {  	[tilespmem:s17], [sflag:$0x2] =	stream.indirect.gather [hbm4b:s4+s15], $0x80, s23, s15, $0xb8;
	[tilespmem:$0x1B000] =	vst v63  }
0x46: {  	_ =	swait.ge [sflag:s18], $0x2800  }
0x47: {  	[sflag:s18] =	ssyncset.done $0x0  }
0x48: {  	s29 =	sadd.s32 $0x1000, s22;
	[sflag:s18] =	ssyncadd.s32 $0xFFFFD800  }
0x49: {  	[spmem:s2] =	stream.indirect.scatter.add.f32 [tilespmem:s16], [sflag:$0x3], $0x80, s29, s15, $0xb8;
	[tilespmem:$0x1B000] =	vst v63  }
0x4a: {  	_ =	swait.ge [sflag:s13], $0x2800  }
0x4b: {  	[sflag:s13] =	ssyncset.done $0x0  }
0x4c: {  	s30 =	sadd.s32 $0x100, s22;
	[sflag:s13] =	ssyncadd.s32 $0xFFFFD800  }
0x4d: {  	[tilespmem:s16], [sflag:$0x1] =	stream.indirect.gather [hbm4b:s4+s15], $0x80, s30, s15, $0xb8;
	[tilespmem:$0x1B000] =	vst v63  }
0x4e: {  	_ =	swait.ge [sflag:s19], $0x2800  }
0x4f: {  	[sflag:s19] =	ssyncset.done $0x0  }
0x50: {  	s31 =	sadd.s32 $0x1080, s22;
	[sflag:s19] =	ssyncadd.s32 $0xFFFFD800  }
0x51: {  	[spmem:s2] =	stream.indirect.scatter.add.f32 [tilespmem:s17], [sflag:$0x3], $0x80, s31, s15, $0xb8;
	[tilespmem:$0x1B000] =	vst v63  }
0x52: {  	_ =	swait.ge [sflag:s13], $0x2800  }
0x53: {  	[sflag:s13] =	ssyncset.done $0x0  }
0x54: {  	[sflag:s13] =	ssyncadd.s32 $0xFFFFD800  }
0x55: {  	s21 =	sadd.s32 $0x1, s21;
	_ =	swait.ge [sflag:s18], $0x2800  }
0x56: {  	p0 =	sne.s32 s21, $0x5;
	[sflag:s18] =	ssyncset.done $0x0  }
.Ltmp1:
0x57: {  	[sflag:s18] =	ssyncadd.s32 $0xFFFFD800;
	(pc) =	sbr.rel @p0 .LBB2_2-.Ltmp1, $4  }
0x58: {  	[spmem:s2] =	stream.indirect.scatter.add.f32 [tilespmem:s16], [sflag:$0x3], $0x80, s20, s15, $0xb8;
	[tilespmem:$0x1B000] =	vst v63  }
0x59: {  	_ =	swait.ge [sflag:s13], $0x2800  }
0x5a: {  	[sflag:s13] =	ssyncset.done $0x0  }
0x5b: {  	[sflag:s13] =	ssyncadd.s32 $0xFFFFD800  }
0x5c: {  	s3 =	sadd.s32 $0x1, s3  }
0x5d: {  	p0 =	sne.s32 s3, s11  }
.Ltmp2:
0x5e: {  	[bflag:$0x0] =	sbarrier.arrive $0xFFFF;
	(pc) =	sbr.rel @p0 .LBB2_1-.Ltmp2, $4  }
0x5f: {  	[hbm:s10], [sflag:s8] =	dma.local [spmem:s12], $0x2800  }
0x60: {  	_ =	swait.ge [sflag:s13], $0x2800  }
0x61: {  	[sflag:s13] =	ssyncset.done $0x0  }
0x62: {  	[sflag:s13] =	ssyncadd.s32 $0xFFFFD800  }
0x63: {  	_ =	sfence.sel $0x180000  }
0x64: {  	[bflag:$0x0] =	sbarrier.arrive $0xFFFF  }
0x65: {  	p0 =	sne.s32 s1, $0x0;
	_ =	strace $0x9000004A  }
0x66: {  	s0 =	sadd.s32 @!p0 $0x100000, s0;
	[bflag:$0x2] =	sbarrier.arrive $0xFFFF  }
0x67: {  	[sflag:s0] =	ssyncadd.tile.s32 @!p0 $0x1;
	_ =	shalt  }
.Lfunc_end2:
_tile_overlayer_lowered:
.L_overlay_start_2:
0x68: {  	(tag) =	ssettag $0x2  }
0x69: {  	s0 =	rddreg [dreg:$0x0];
	s2 =	stileid.u32  }
0x6a: {  	s1 =	rddreg [dreg:$0x1];
	p0 =	sne.s32 s2, $0x0  }
0x6b: {  	s3 =	rddreg [dreg:$0x2];
	[bflag:$0x3] =	sbarrier.arrive $0xFFFF;
	s2 =	simm.s32 @!p0 $0x1C03  }
0x6c: {  	[timem:s3], [sflag:s2] =	dma.local @!p0 [hbm:s0], s1  }
0x6d: {  	s0 =	simm.s32 @!p0 $0x3  }
0x6e: {  	_ =	swait.ge @!p0 [sflag:s0], s1  }
0x6f: {  	s1 =	ssub.s32 @!p0 $0x0, s1;
	[sflag:s0] =	ssyncset.done @!p0 $0x0  }
0x70: {  	[sflag:s0] =	ssyncadd.s32 @!p0 s1  }
0x71: {  	[bflag:$0x3] =	sbarrier.arrive $0xFFFF  }
0x72: {  	_ =	shalt  }

// kernel: kernel.16.cloned.1.call-start
scs
__scs_entry_jumppad:
0x0: {  	(pc) =	sbr.rel $0x88, $3  }
0x1: {  	(tag) =	ssettag $0x0;
	lr =	simm.s32 $0x1  }
0x2: {  	[smem:$0x3F96] =	sst lr;
	_ =	strace $0xD0000000  }
0x3: {  	_ = 	snop  }
0x4: {  	_ = 	snop  }
0x5: {  	_ = 	snop  }
0x6: {  	_ = 	snop  }
0x7: {  	_ = 	snop  }
__scs_overlays_trampoline_lowered:
0x8: {  	[smem:$0x3FA5] =	sst s0  }
0x9: {  	[smem:$0x3FA6] =	sst s1  }
0xa: {  	[smem:$0x3FA7] =	sst s2  }
0xb: {  	[smem:$0x3FA8] =	sst s3  }
0xc: {  	[smem:$0x3FA9] =	sst s4  }
0xd: {  	[smem:$0x3FAA] =	sst s5  }
0xe: {  	[smem:$0x3FAB] =	sst s6  }
0xf: {  	[smem:$0x3FAC] =	sst s7  }
0x10: {  	[smem:$0x3FAD] =	sst s8  }
0x11: {  	[smem:$0x3FAE] =	sst s9;
	s0 =	simm.s32 @!p0 $0x0  }
0x12: {  	s1 =	sld [smem:$0x3F94];
	s0 =	simm.s32 @p0 $0x1  }
0x13: {  	[smem:$0x3FAF] =	sst s0;
	s0 =	simm.s32 @!p1 $0x0  }
0x14: {  	s2 =	sld [smem:$0x3F93];
	s0 =	simm.s32 @p1 $0x1  }
0x15: {  	[smem:$0x3FB0] =	sst s0;
	s0 =	simm.s32 @!p2 $0x0  }
0x16: {  	s3 =	sld [smem:$0x3FDB];
	s0 =	simm.s32 @p2 $0x1  }
0x17: {  	s4 =	simm.s32 $0x1BF5;
	[smem:$0x3FB2] =	sst s0  }
0x18: {  	s0 =	sld [smem:$0x3F95];
	_ =	swait.ge [sflag:s4], $0x0  }
0x19: {  	s7 =	sld [smem:$0x3F96]  }
0x1a: {  	s8 =	sadd.s32 $0xFFFFE003, lr  }
0x1b: {  	s9 =	sadd.s32 $0xFFFFFEF7, lr;
	s5 =	simm.s32 $0xFFFFFFFF;
	p2 =	slt.u32 s8, $0xFFFFF086  }
0x1c: {  	p1 =	slt.u32 s9, $0xF7A;
	s5 =	simm.s32 @!p2 $0x0  }
0x1d: {  	s5 =	simm.s32 @p1 $0x1;
	p0 =	seq.s32 s7, s2  }
0x1e: {  	s7 =	smul.u32 @!p0 $0xF7A, s2;
	p2 =	seq.s32 @!p0 s5, $0x0  }
0x1f: {  	s9 =	smul.u32 $0xF7A, s1;
	s8 =	simm.s32 @!p0 $0x1BF5;
	p2 =	por !p2, p0  }
0x20: {  	[sflag:s8] =	ssyncset.s32 @!p0 $0xFFFFF086;
	s6 =	sadd.s32 @!p0 s3, s7;
	s7 =	simm.s32 @!p0 $0x108  }
0x21: {  	s3 =	sadd.s32 s3, s9;
	s6 =	sadd.s32 @!p0 $0x88, s6;
	s7 =	simm.s32 @p2 $0x1082  }
0x22: {  	[simem:s7], [sflag:s8] =	dma.local @!p0 [hbm:s6], $0xF7A  }
0x23: {  	s9 =	sor.u32 $0xD0000000, s2;
	s6 =	simm.s32 $0x108;
	_ =	swait.ge @!p0 [sflag:s8], $0x0  }
0x24: {  	s3 =	sadd.s32 $0x88, s3;
	s6 =	simm.s32 @!p1 $0x1082;
	[sflag:s4] =	ssyncset.s32 $0xFFFFF086  }
0x25: {  	[simem:s6], [sflag:s4] =	dma.local [hbm:s3], $0xF7A  }
0x26: {  	[smem:$0x3F96] =	sst s1;
	(tag) =	ssettag s2;
	_ =	strace s9  }
0x27: {  	s1 =	sld [smem:$0x3FA6]  }
0x28: {  	s2 =	sld [smem:$0x3FA7]  }
0x29: {  	s4 =	sld [smem:$0x3FA9]  }
0x2a: {  	p0 =	seq.s32 s5, $0x0;
	s5 =	sld [smem:$0x3FAA]  }
0x2b: {  	s6 =	sld [smem:$0x3FAB]  }
0x2c: {  	s7 =	sld [smem:$0x3FAC]  }
0x2d: {  	s3 =	simm.s32 $0x108;
	s8 =	sld [smem:$0x3FAD]  }
0x2e: {  	s3 =	simm.s32 @!p0 $0x1082;
	s9 =	sld [smem:$0x3FAE]  }
0x2f: {  	lr =	sadd.s32 s0, s3;
	s0 =	sld [smem:$0x3FA5]  }
0x30: {  	s3 =	sld [smem:$0x3FA8]  }
0x31: {  	[smem:$0x3FB1] =	sst s10  }
0x32: {  	s10 =	sld [smem:$0x3FAF];
	_ =	sdelay $0x3  }
0x33: {  	p0 =	seq.s32 s10, $0x1;
	s10 =	sld [smem:$0x3FB1];
	_ =	sdelay $0x3  }
0x34: {  	[smem:$0x3FB1] =	sst s10  }
0x35: {  	s10 =	sld [smem:$0x3FB0];
	_ =	sdelay $0x3  }
0x36: {  	p1 =	seq.s32 s10, $0x1;
	s10 =	sld [smem:$0x3FB1];
	_ =	sdelay $0x3  }
0x37: {  	[smem:$0x3FB1] =	sst s10  }
0x38: {  	s10 =	sld [smem:$0x3FB2]  }
0x39: {  	_ = 	snop;
	(pc) =	sbr.ind lr, $3  }
0x3a: {  	_ = 	snop  }
0x3b: {  	_ = 	snop  }
0x3c: {  	p2 =	seq.s32 s10, $0x1;
	s10 =	sld [smem:$0x3FB1]  }
0x3d: {  	_ =	shalt  }
0x3e: {  	_ =	shalt  }
0x3f: {  	_ =	shalt  }
0x40: {  	_ =	shalt  }
0x41: {  	_ =	shalt  }
0x42: {  	_ =	shalt  }
0x43: {  	_ =	shalt  }
0x44: {  	_ =	shalt  }
0x45: {  	_ =	shalt  }
0x46: {  	_ =	shalt  }
0x47: {  	_ =	shalt  }
0x48: {  	_ =	shalt  }
0x49: {  	_ =	shalt  }
0x4a: {  	_ =	shalt  }
0x4b: {  	_ =	shalt  }
0x4c: {  	_ =	shalt  }
0x4d: {  	_ =	shalt  }
0x4e: {  	_ =	shalt  }
0x4f: {  	_ =	shalt  }
0x50: {  	_ =	shalt  }
0x51: {  	_ =	shalt  }
0x52: {  	_ =	shalt  }
0x53: {  	_ =	shalt  }
0x54: {  	_ =	shalt  }
0x55: {  	_ =	shalt  }
0x56: {  	_ =	shalt  }
0x57: {  	_ =	shalt  }
0x58: {  	_ =	shalt  }
0x59: {  	_ =	shalt  }
0x5a: {  	_ =	shalt  }
0x5b: {  	_ =	shalt  }
0x5c: {  	_ =	shalt  }
0x5d: {  	_ =	shalt  }
0x5e: {  	_ =	shalt  }
0x5f: {  	_ =	shalt  }
0x60: {  	_ =	shalt  }
0x61: {  	_ =	shalt  }
0x62: {  	_ =	shalt  }
0x63: {  	_ =	shalt  }
0x64: {  	_ =	shalt  }
0x65: {  	_ =	shalt  }
0x66: {  	_ =	shalt  }
0x67: {  	_ =	shalt  }
0x68: {  	_ =	shalt  }
0x69: {  	_ =	shalt  }
0x6a: {  	_ =	shalt  }
0x6b: {  	_ =	shalt  }
0x6c: {  	_ =	shalt  }
0x6d: {  	_ =	shalt  }
0x6e: {  	_ =	shalt  }
0x6f: {  	_ =	shalt  }
0x70: {  	_ =	shalt  }
0x71: {  	_ =	shalt  }
0x72: {  	_ =	shalt  }
0x73: {  	_ =	shalt  }
0x74: {  	_ =	shalt  }
0x75: {  	_ =	shalt  }
0x76: {  	_ =	shalt  }
0x77: {  	_ =	shalt  }
0x78: {  	_ =	shalt  }
0x79: {  	_ =	shalt  }
0x7a: {  	_ =	shalt  }
0x7b: {  	_ =	shalt  }
0x7c: {  	_ =	shalt  }
0x7d: {  	_ =	shalt  }
0x7e: {  	_ =	shalt  }
0x7f: {  	_ =	shalt  }
0x80: {  	_ =	shalt  }
0x81: {  	_ =	shalt  }
0x82: {  	_ =	shalt  }
0x83: {  	_ =	shalt  }
0x84: {  	_ =	shalt  }
0x85: {  	_ =	shalt  }
0x86: {  	_ =	shalt  }
0x87: {  	_ =	shalt  }
.Lfunc_end0:
.L_simem_size_0:
called_computation.2_lowered:
.L_overlay_start_0:
0x88: {  	s2 =	sld [smem:$0x3FD9]  }
0x89: {  	s3 =	sld [smem:$0x3FFE];
	_ =	sdelay $0x1  }
0x8a: {  	s1 =	srdreg.scid  }
0x8b: {  	s0 =	sand.u32 $0x1, s1  }
0x8c: {  	s16 =	sshll.u32 s0, $0xA;
	s2 =	sadd.s32 s3, s2  }
0x8d: {  	s2 =	sadd.s32 s2, s16  }
0x8e: {  	[smem:$0x3FBD] =	sst s2  }
0x8f: {  	_ = 	snop  }
0x90: {  	(tm) =	ssettm $0x1  }
0x91: {  	s17 =	sld [smem:$0x3FFB];
	_ =	sdelay $0x3  }
0x92: {  	_ =	strace s17  }
0x93: {  	s2 =	sld [smem:$0x3FFC];
	_ =	sdelay $0x3  }
0x94: {  	_ =	strace s2  }
0x95: {  	s2 =	sld [smem:$0x3FFD];
	_ =	sdelay $0x3  }
0x96: {  	_ =	strace s2  }
0x97: {  	_ =	strace $0x8FFFFFFF  }
0x98: {  	s18 =	sld [smem:$0x3FDB];
	_ =	sdelay $0x1  }
0x99: {  	s19 =	simm.s32 $_scs_section_size  }
0x9a: {  	s4 =	simm.s32 $_size__tile_overlayer_lowered;
	s5 =	simm.s32 $_tile_overlayer_lowered  }
0x9b: {  	s22 =	simm.s32 $0x1BFF;
	s21 =	sshll.u32 s5, $0x1;
	s2 =	sadd.s32 s19, s18  }
0x9c: {  	s6 =	simm.s32 $0x0;
	s20 =	sshll.u32 s4, $0x1;
	s4 =	sadd.s32 s21, s2  }
0x9d: {  	[timem:s6], [sflag:s22] =	dma.local [hbm:s4], s20  }
0x9e: {  	_ =	swait.ge [sflag:s22], s20  }
0x9f: {  	s3 =	ssub.s32 $0x0, s20;
	[sflag:s22] =	ssyncset.done $0x0  }
0xa0: {  	[sflag:s22] =	ssyncadd.s32 s3;
	_ =	sdelay $0x1  }
0xa1: {  	s23 =	simm.s32 $0x1B8B  }
0xa2: {  	_ =	swait.ge [sflag:s23], $0x1  }
0xa3: {  	[sflag:s23] =	ssyncset.done $0x0  }
0xa4: {  	s25 =	simm.s32 $0x1B8E;
	s24 =	sld [smem:$0x3FFE];
	[sflag:s23] =	ssyncadd.s32 $0xFFFFFFFF  }
0xa5: {  	s26 =	simm.s32 $execute0_lowered;
	[smem:$0x3FD2] =	sst s25  }
0xa6: {  	s4 =	sshll.u32 s26, $0x1;
	_ =	strace $0x8000004C;
	[dreg:$0x1] =	wrdreg $0xFFFFFFFF  }
0xa7: {  	s28 =	simm.s32 $_size_execute0_lowered;
	s2 =	sadd.s32 s2, s4;
	[dreg:$0x0] =	wrdreg $0x0  }
0xa8: {  	s4 =	sshll.u32 s28, $0x1;
	[dreg:$0x2] =	wrdreg s2  }
0xa9: {  	[dreg:$0x3] =	wrdreg s4  }
0xaa: {  	[dreg:$0x4] =	wrdreg $0xC0  }
0xab: {  	_ =	task [dreg:s6], $0x5FFFF  }
0xac: {  	[dreg:$0x1] =	wrdreg $0xFFFFFFFF  }
0xad: {  	[dreg:$0x0] =	wrdreg $0x60  }
0xae: {  	[dreg:$0x2] =	wrdreg s24  }
0xaf: {  	[dreg:$0x3] =	wrdreg $0x70000  }
0xb0: {  	[dreg:$0x4] =	wrdreg $0x9  }
0xb1: {  	_ =	task.clear_ibuf [dreg:s6], $0x5FFFF;
	_ =	strace $0x9000004C  }
0xb2: {  	s29 =	simm.s32 $0x9;
	_ =	strace $0x8000004E  }
0xb3: {  	_ =	swait.ge [sflag:s29], $0x1  }
0xb4: {  	[sflag:s29] =	ssyncadd.s32 $0xFFFFFFFF  }
0xb5: {  	_ =	strace $0x9000004E  }
0xb6: {  	_ =	sfence  }
0xb7: {  	s30 =	sld [smem:$0x0];
	_ =	sdelay $0x2  }
0xb8: {  	s31 =	sshll.u32 s1, $0xD;
	s1 =	sshrl.u32 s1, $0x2  }
0xb9: {  	s3 =	sand.u32 $0x4000, s31;
	s1 =	sadd.s32 s1, s30  }
0xba: {  	s0 =	sor.u32 s3, s0;
	s1 =	sshll.u32 s1, $0x11  }
0xbb: {  	s0 =	sor.u32 s1, s0  }
0xbc: {  	s0 =	sadd.s32 $0x8F2B, s0  }
0xbd: {  	[sflag:s0] =	ssyncadd.remote.s32 $0x1  }
0xbe: {  	_ =	sfence.sel $0xFFFF  }
0xbf: {  	[dreg:$0x0] =	wrdreg $0xFFFFFFFF;
	(pc) =	sbr.abs _section_cstart, $3  }
0xc0: {  	[dreg:$0x1] =	wrdreg $0xFFFFFFFF  }
0xc1: {  	_ =	task.clear_ibuf [dreg:s6], $0x2FFFF;
	_ =	strace $0x9FFFFFFF  }
0xc2: {  	(tm) =	ssettm $0x7FFFFFFF  }
0xc3: {  	_ =	shalt  }
tec
execute0_lowered:
.L_overlay_start_1:
0x0: {  	(tag) =	ssettag $0x1  }
0x1: {  	s7 =	rddreg [dreg:$0x0]  }
0x2: {  	s2 =	rddreg [dreg:$0x1]  }
0x3: {  	s0 =	rddreg [dreg:$0x2]  }
0x4: {  	s3 =	simm.s32 $0x0;
	s1 =	stileid.u32;
	s4 =	srdreg.scid  }
0x5: {  	s15 =	simm.s32 $0x50;
	s16 =	simm.s32 $0x2000;
	s17 =	simm.s32 $0x4800  }
0x6: {  	s18 =	simm.s32 $0x1;
	s19 =	simm.s32 $0x2;
	s20 =	simm.s32 $0x1C00  }
0x7: {  	[smem:$0x7FF] =	sst s3;
	s8 =	smul.u32 $0x14000, s1;
	s9 =	sand.u32 $0x1, s4  }
0x8: {  	s4 =	sadd.s32 $0x3D000, s7;
	s5 =	sadd.s32 $0xA1600, s7;
	s6 =	sadd.s32 $0x8D600, s7  }
0x9: {  	s13 =	smul.u32 $0x50000, s1;
	s29 =	sshll.u32 s1, $0x1;
	s31 =	sshll.u32 s1, $0x6  }
0xa: {  	_ =	strace $0x8000004D;
	s10 =	smul.u32 $0x140000, s9;
	s28 =	ssub.s32 $0x2, s9  }
0xb: {  	s9 =	sor.u32 s9, s29;
	s11 =	sshrl.u32 s8, $0x3;
	s12 =	sshrl.u32 s28, $0x1  }
0xc: {  	s30 =	sshrl.u32 s13, $0x2;
	s9 =	smul.u32 $0x5000, s9;
	s8 =	sadd.s32 s8, s10  }
0xd: {  	s11 =	sadd.s32 s11, s7;
	s12 =	ssub.s32 s28, s12;
	s8 =	sshrl.u32 s8, $0x3  }
0xe: {  	s13 =	sadd.s32 s30, s2;
	s14 =	sadd.s32 s8, s7;
	s7 =	sadd.s32 $0x15000, s11  }
0xf: {  	s8 =	sor.u32 $0x1C03, s31;
	s11 =	smax.u32 s12, $0x1;
	s12 =	sshrl.u32 s13, $0x3  }
0x10: {  	s13 =	simm.s32 $0x3;
	s10 =	sadd.s32 $0xB5600, s14;
	s14 =	simm.s32 $0x1000  }
.LBB2_1:
0x11: {  	[spmem:s12], [sflag:s8] =	dma.local [hbm:s7], $0x2800  }
0x12: {  	_ =	swait.ge [sflag:s13], $0x2800  }
0x13: {  	[sflag:s13] =	ssyncset.done $0x0  }
0x14: {  	[sflag:s13] =	ssyncadd.s32 $0xFFFFD800  }
0x15: {  	s21 =	simm.s32 $0x0;
	[bflag:$0x0] =	sbarrier.arrive $0xFFFF  }
.LBB2_2:
0x16: {  	s22 =	sshll.u32 s21, $0xC  }
0x17: {  	s22 =	sadd.s32 s9, s22  }
0x18: {  	s22 =	sshrl.u32 s22, $0x3  }
0x19: {  	s24 =	simm.s32 $0x0;
	s23 =	sadd.s32 s5, s22  }
0x1a: {  	[tilespmem:s24], [sflag:$0x3] =	stream.linear.gather [hbm4b:s23+s24], $0xC80, $0x38;
	[tilespmem:$0x1B000] =	vst v63  }
0x1b: {  	_ =	swait.ge [sflag:s13], $0xC80  }
0x1c: {  	[sflag:s13] =	ssyncset.done $0x0  }
0x1d: {  	s22 =	sadd.s32 s6, s22;
	[sflag:s13] =	ssyncadd.s32 $0xFFFFF380  }
0x1e: {  	[tilespmem:s14], [sflag:$0x3] =	stream.linear.gather [hbm4b:s22+s24], $0xC80, $0x38;
	[tilespmem:$0x1B000] =	vst v63  }
0x1f: {  	_ =	swait.ge [sflag:s13], $0xC80  }
0x20: {  	[sflag:s13] =	ssyncset.done $0x0  }
0x21: {  	[sflag:s13] =	ssyncadd.s32 $0xFFFFF380  }
0x22: {  	[tilespmem:s16], [sflag:$0x1] =	stream.indirect.gather [hbm4b:s4+s15], $0x80, s24, s15, $0xb8;
	[tilespmem:$0x1B000] =	vst v63  }
0x23: {  	s28 =	simm.s32 $0x80  }
0x24: {  	[tilespmem:s17], [sflag:$0x2] =	stream.indirect.gather [hbm4b:s4+s15], $0x80, s28, s15, $0xb8;
	[tilespmem:$0x1B000] =	vst v63  }
0x25: {  	_ =	swait.ge [sflag:s18], $0x2800  }
0x26: {  	[sflag:s18] =	ssyncset.done $0x0  }
0x27: {  	s29 =	simm.s32 $0x1000;
	[sflag:s18] =	ssyncadd.s32 $0xFFFFD800  }
0x28: {  	[spmem:s2] =	stream.indirect.scatter.add.f32 [tilespmem:s16], [sflag:$0x3], $0x80, s29, s15, $0xb8;
	[tilespmem:$0x1B000] =	vst v63  }
0x29: {  	_ =	swait.ge [sflag:s13], $0x2800  }
0x2a: {  	[sflag:s13] =	ssyncset.done $0x0  }
0x2b: {  	s30 =	simm.s32 $0x100;
	[sflag:s13] =	ssyncadd.s32 $0xFFFFD800  }
0x2c: {  	[tilespmem:s16], [sflag:$0x1] =	stream.indirect.gather [hbm4b:s4+s15], $0x80, s30, s15, $0xb8;
	[tilespmem:$0x1B000] =	vst v63  }
0x2d: {  	_ =	swait.ge [sflag:s19], $0x2800  }
0x2e: {  	[sflag:s19] =	ssyncset.done $0x0  }
0x2f: {  	s31 =	simm.s32 $0x1080;
	[sflag:s19] =	ssyncadd.s32 $0xFFFFD800  }
0x30: {  	[spmem:s2] =	stream.indirect.scatter.add.f32 [tilespmem:s17], [sflag:$0x3], $0x80, s31, s15, $0xb8;
	[tilespmem:$0x1B000] =	vst v63  }
0x31: {  	_ =	swait.ge [sflag:s13], $0x2800  }
0x32: {  	s23 =	simm.s32 $0x800;
	s22 =	simm.s32 $0x100;
	[sflag:s13] =	ssyncset.done $0x0  }
.LBB2_3:
0x33: {  	s24 =	sadd.s32 $0x80, s22  }
0x34: {  	[sflag:s13] =	ssyncadd.s32 $0xFFFFD800;
	s25 =	smov.u32 s23;
	s26 =	sadd.s32 $0x400, s23  }
0x35: {  	[tilespmem:s17], [sflag:$0x2] =	stream.indirect.gather [hbm4b:s4+s15], $0x80, s24, s15, $0xb8;
	[tilespmem:$0x1B000] =	vst v63  }
0x36: {  	p0 =	sne.s32 s23, $0x2C00;
	_ =	swait.ge [sflag:s18], $0x2800  }
0x37: {  	[sflag:s18] =	ssyncset.done $0x0  }
0x38: {  	s23 =	sadd.s32 $0x1000, s22;
	[sflag:s18] =	ssyncadd.s32 $0xFFFFD800  }
0x39: {  	[spmem:s2] =	stream.indirect.scatter.add.f32 [tilespmem:s16], [sflag:$0x3], $0x80, s23, s15, $0xb8;
	[tilespmem:$0x1B000] =	vst v63  }
0x3a: {  	_ =	swait.ge [sflag:s13], $0x2800  }
0x3b: {  	[sflag:s13] =	ssyncset.done $0x0  }
0x3c: {  	s23 =	sadd.s32 $0x100, s22;
	[sflag:s13] =	ssyncadd.s32 $0xFFFFD800  }
0x3d: {  	[tilespmem:s16], [sflag:$0x1] =	stream.indirect.gather [hbm4b:s4+s15], $0x80, s23, s15, $0xb8;
	[tilespmem:$0x1B000] =	vst v63  }
0x3e: {  	_ =	swait.ge [sflag:s19], $0x2800  }
.Ltmp0:
0x3f: {  	[sflag:s19] =	ssyncset.done $0x0;
	(pc) =	sbr.rel @p0 .LBB2_3-.Ltmp0, $4  }
0x40: {  	s22 =	sadd.s32 $0x1080, s22;
	[sflag:s19] =	ssyncadd.s32 $0xFFFFD800  }
0x41: {  	[spmem:s2] =	stream.indirect.scatter.add.f32 [tilespmem:s17], [sflag:$0x3], $0x80, s22, s15, $0xb8;
	[tilespmem:$0x1B000] =	vst v63  }
0x42: {  	_ =	swait.ge [sflag:s13], $0x2800  }
0x43: {  	s23 =	smov.u32 s26;
	s22 =	sshra.s32 s25, $0x2;
	[sflag:s13] =	ssyncset.done $0x0  }
0x44: {  	s23 =	sadd.s32 $0x80, s22;
	[sflag:s13] =	ssyncadd.s32 $0xFFFFD800  }
0x45: {  	[tilespmem:s17], [sflag:$0x2] =	stream.indirect.gather [hbm4b:s4+s15], $0x80, s23, s15, $0xb8;
	[tilespmem:$0x1B000] =	vst v63  }
0x46: {  	_ =	swait.ge [sflag:s18], $0x2800  }
0x47: {  	[sflag:s18] =	ssyncset.done $0x0  }
0x48: {  	s29 =	sadd.s32 $0x1000, s22;
	[sflag:s18] =	ssyncadd.s32 $0xFFFFD800  }
0x49: {  	[spmem:s2] =	stream.indirect.scatter.add.f32 [tilespmem:s16], [sflag:$0x3], $0x80, s29, s15, $0xb8;
	[tilespmem:$0x1B000] =	vst v63  }
0x4a: {  	_ =	swait.ge [sflag:s13], $0x2800  }
0x4b: {  	[sflag:s13] =	ssyncset.done $0x0  }
0x4c: {  	s30 =	sadd.s32 $0x100, s22;
	[sflag:s13] =	ssyncadd.s32 $0xFFFFD800  }
0x4d: {  	[tilespmem:s16], [sflag:$0x1] =	stream.indirect.gather [hbm4b:s4+s15], $0x80, s30, s15, $0xb8;
	[tilespmem:$0x1B000] =	vst v63  }
0x4e: {  	_ =	swait.ge [sflag:s19], $0x2800  }
0x4f: {  	[sflag:s19] =	ssyncset.done $0x0  }
0x50: {  	s31 =	sadd.s32 $0x1080, s22;
	[sflag:s19] =	ssyncadd.s32 $0xFFFFD800  }
0x51: {  	[spmem:s2] =	stream.indirect.scatter.add.f32 [tilespmem:s17], [sflag:$0x3], $0x80, s31, s15, $0xb8;
	[tilespmem:$0x1B000] =	vst v63  }
0x52: {  	_ =	swait.ge [sflag:s13], $0x2800  }
0x53: {  	[sflag:s13] =	ssyncset.done $0x0  }
0x54: {  	[sflag:s13] =	ssyncadd.s32 $0xFFFFD800  }
0x55: {  	s21 =	sadd.s32 $0x1, s21;
	_ =	swait.ge [sflag:s18], $0x2800  }
0x56: {  	p0 =	sne.s32 s21, $0x5;
	[sflag:s18] =	ssyncset.done $0x0  }
.Ltmp1:
0x57: {  	[sflag:s18] =	ssyncadd.s32 $0xFFFFD800;
	(pc) =	sbr.rel @p0 .LBB2_2-.Ltmp1, $4  }
0x58: {  	[spmem:s2] =	stream.indirect.scatter.add.f32 [tilespmem:s16], [sflag:$0x3], $0x80, s20, s15, $0xb8;
	[tilespmem:$0x1B000] =	vst v63  }
0x59: {  	_ =	swait.ge [sflag:s13], $0x2800  }
0x5a: {  	[sflag:s13] =	ssyncset.done $0x0  }
0x5b: {  	[sflag:s13] =	ssyncadd.s32 $0xFFFFD800  }
0x5c: {  	s3 =	sadd.s32 $0x1, s3  }
0x5d: {  	p0 =	sne.s32 s3, s11  }
.Ltmp2:
0x5e: {  	[bflag:$0x0] =	sbarrier.arrive $0xFFFF;
	(pc) =	sbr.rel @p0 .LBB2_1-.Ltmp2, $4  }
0x5f: {  	[hbm:s10], [sflag:s8] =	dma.local [spmem:s12], $0x2800  }
0x60: {  	_ =	swait.ge [sflag:s13], $0x2800  }
0x61: {  	[sflag:s13] =	ssyncset.done $0x0  }
0x62: {  	[sflag:s13] =	ssyncadd.s32 $0xFFFFD800  }
0x63: {  	_ =	sfence.sel $0x180000  }
0x64: {  	[bflag:$0x0] =	sbarrier.arrive $0xFFFF  }
0x65: {  	p0 =	sne.s32 s1, $0x0;
	_ =	strace $0x9000004D  }
0x66: {  	s0 =	sadd.s32 @!p0 $0x100000, s0;
	[bflag:$0x2] =	sbarrier.arrive $0xFFFF  }
0x67: {  	[sflag:s0] =	ssyncadd.tile.s32 @!p0 $0x1;
	_ =	shalt  }
.Lfunc_end2:
_tile_overlayer_lowered:
.L_overlay_start_2:
0x68: {  	(tag) =	ssettag $0x2  }
0x69: {  	s0 =	rddreg [dreg:$0x0];
	s2 =	stileid.u32  }
0x6a: {  	s1 =	rddreg [dreg:$0x1];
	p0 =	sne.s32 s2, $0x0  }
0x6b: {  	s3 =	rddreg [dreg:$0x2];
	[bflag:$0x3] =	sbarrier.arrive $0xFFFF;
	s2 =	simm.s32 @!p0 $0x1C03  }
0x6c: {  	[timem:s3], [sflag:s2] =	dma.local @!p0 [hbm:s0], s1  }
0x6d: {  	s0 =	simm.s32 @!p0 $0x3  }
0x6e: {  	_ =	swait.ge @!p0 [sflag:s0], s1  }
0x6f: {  	s1 =	ssub.s32 @!p0 $0x0, s1;
	[sflag:s0] =	ssyncset.done @!p0 $0x0  }
0x70: {  	[sflag:s0] =	ssyncadd.s32 @!p0 s1  }
0x71: {  	[bflag:$0x3] =	sbarrier.arrive $0xFFFF  }
0x72: {  	_ =	shalt  }

// kernel: kernel.19.cloned.1.call-start
scs
__scs_entry_jumppad:
0x0: {  	(pc) =	sbr.rel $0x88, $3  }
0x1: {  	(tag) =	ssettag $0x0;
	lr =	simm.s32 $0x1  }
0x2: {  	[smem:$0x3F96] =	sst lr;
	_ =	strace $0xD0000000  }
0x3: {  	_ = 	snop  }
0x4: {  	_ = 	snop  }
0x5: {  	_ = 	snop  }
0x6: {  	_ = 	snop  }
0x7: {  	_ = 	snop  }
__scs_overlays_trampoline_lowered:
0x8: {  	[smem:$0x3FA5] =	sst s0  }
0x9: {  	[smem:$0x3FA6] =	sst s1  }
0xa: {  	[smem:$0x3FA7] =	sst s2  }
0xb: {  	[smem:$0x3FA8] =	sst s3  }
0xc: {  	[smem:$0x3FA9] =	sst s4  }
0xd: {  	[smem:$0x3FAA] =	sst s5  }
0xe: {  	[smem:$0x3FAB] =	sst s6  }
0xf: {  	[smem:$0x3FAC] =	sst s7  }
0x10: {  	[smem:$0x3FAD] =	sst s8  }
0x11: {  	[smem:$0x3FAE] =	sst s9;
	s0 =	simm.s32 @!p0 $0x0  }
0x12: {  	s1 =	sld [smem:$0x3F94];
	s0 =	simm.s32 @p0 $0x1  }
0x13: {  	[smem:$0x3FAF] =	sst s0;
	s0 =	simm.s32 @!p1 $0x0  }
0x14: {  	s2 =	sld [smem:$0x3F93];
	s0 =	simm.s32 @p1 $0x1  }
0x15: {  	[smem:$0x3FB0] =	sst s0;
	s0 =	simm.s32 @!p2 $0x0  }
0x16: {  	s3 =	sld [smem:$0x3FDB];
	s0 =	simm.s32 @p2 $0x1  }
0x17: {  	s4 =	simm.s32 $0x1BF5;
	[smem:$0x3FB2] =	sst s0  }
0x18: {  	s0 =	sld [smem:$0x3F95];
	_ =	swait.ge [sflag:s4], $0x0  }
0x19: {  	s7 =	sld [smem:$0x3F96]  }
0x1a: {  	s8 =	sadd.s32 $0xFFFFE003, lr  }
0x1b: {  	s9 =	sadd.s32 $0xFFFFFEF7, lr;
	s5 =	simm.s32 $0xFFFFFFFF;
	p2 =	slt.u32 s8, $0xFFFFF086  }
0x1c: {  	p1 =	slt.u32 s9, $0xF7A;
	s5 =	simm.s32 @!p2 $0x0  }
0x1d: {  	s5 =	simm.s32 @p1 $0x1;
	p0 =	seq.s32 s7, s2  }
0x1e: {  	s7 =	smul.u32 @!p0 $0xF7A, s2;
	p2 =	seq.s32 @!p0 s5, $0x0  }
0x1f: {  	s9 =	smul.u32 $0xF7A, s1;
	s8 =	simm.s32 @!p0 $0x1BF5;
	p2 =	por !p2, p0  }
0x20: {  	[sflag:s8] =	ssyncset.s32 @!p0 $0xFFFFF086;
	s6 =	sadd.s32 @!p0 s3, s7;
	s7 =	simm.s32 @!p0 $0x108  }
0x21: {  	s3 =	sadd.s32 s3, s9;
	s6 =	sadd.s32 @!p0 $0x88, s6;
	s7 =	simm.s32 @p2 $0x1082  }
0x22: {  	[simem:s7], [sflag:s8] =	dma.local @!p0 [hbm:s6], $0xF7A  }
0x23: {  	s9 =	sor.u32 $0xD0000000, s2;
	s6 =	simm.s32 $0x108;
	_ =	swait.ge @!p0 [sflag:s8], $0x0  }
0x24: {  	s3 =	sadd.s32 $0x88, s3;
	s6 =	simm.s32 @!p1 $0x1082;
	[sflag:s4] =	ssyncset.s32 $0xFFFFF086  }
0x25: {  	[simem:s6], [sflag:s4] =	dma.local [hbm:s3], $0xF7A  }
0x26: {  	[smem:$0x3F96] =	sst s1;
	(tag) =	ssettag s2;
	_ =	strace s9  }
0x27: {  	s1 =	sld [smem:$0x3FA6]  }
0x28: {  	s2 =	sld [smem:$0x3FA7]  }
0x29: {  	s4 =	sld [smem:$0x3FA9]  }
0x2a: {  	p0 =	seq.s32 s5, $0x0;
	s5 =	sld [smem:$0x3FAA]  }
0x2b: {  	s6 =	sld [smem:$0x3FAB]  }
0x2c: {  	s7 =	sld [smem:$0x3FAC]  }
0x2d: {  	s3 =	simm.s32 $0x108;
	s8 =	sld [smem:$0x3FAD]  }
0x2e: {  	s3 =	simm.s32 @!p0 $0x1082;
	s9 =	sld [smem:$0x3FAE]  }
0x2f: {  	lr =	sadd.s32 s0, s3;
	s0 =	sld [smem:$0x3FA5]  }
0x30: {  	s3 =	sld [smem:$0x3FA8]  }
0x31: {  	[smem:$0x3FB1] =	sst s10  }
0x32: {  	s10 =	sld [smem:$0x3FAF];
	_ =	sdelay $0x3  }
0x33: {  	p0 =	seq.s32 s10, $0x1;
	s10 =	sld [smem:$0x3FB1];
	_ =	sdelay $0x3  }
0x34: {  	[smem:$0x3FB1] =	sst s10  }
0x35: {  	s10 =	sld [smem:$0x3FB0];
	_ =	sdelay $0x3  }
0x36: {  	p1 =	seq.s32 s10, $0x1;
	s10 =	sld [smem:$0x3FB1];
	_ =	sdelay $0x3  }
0x37: {  	[smem:$0x3FB1] =	sst s10  }
0x38: {  	s10 =	sld [smem:$0x3FB2]  }
0x39: {  	_ = 	snop;
	(pc) =	sbr.ind lr, $3  }
0x3a: {  	_ = 	snop  }
0x3b: {  	_ = 	snop  }
0x3c: {  	p2 =	seq.s32 s10, $0x1;
	s10 =	sld [smem:$0x3FB1]  }
0x3d: {  	_ =	shalt  }
0x3e: {  	_ =	shalt  }
0x3f: {  	_ =	shalt  }
0x40: {  	_ =	shalt  }
0x41: {  	_ =	shalt  }
0x42: {  	_ =	shalt  }
0x43: {  	_ =	shalt  }
0x44: {  	_ =	shalt  }
0x45: {  	_ =	shalt  }
0x46: {  	_ =	shalt  }
0x47: {  	_ =	shalt  }
0x48: {  	_ =	shalt  }
0x49: {  	_ =	shalt  }
0x4a: {  	_ =	shalt  }
0x4b: {  	_ =	shalt  }
0x4c: {  	_ =	shalt  }
0x4d: {  	_ =	shalt  }
0x4e: {  	_ =	shalt  }
0x4f: {  	_ =	shalt  }
0x50: {  	_ =	shalt  }
0x51: {  	_ =	shalt  }
0x52: {  	_ =	shalt  }
0x53: {  	_ =	shalt  }
0x54: {  	_ =	shalt  }
0x55: {  	_ =	shalt  }
0x56: {  	_ =	shalt  }
0x57: {  	_ =	shalt  }
0x58: {  	_ =	shalt  }
0x59: {  	_ =	shalt  }
0x5a: {  	_ =	shalt  }
0x5b: {  	_ =	shalt  }
0x5c: {  	_ =	shalt  }
0x5d: {  	_ =	shalt  }
0x5e: {  	_ =	shalt  }
0x5f: {  	_ =	shalt  }
0x60: {  	_ =	shalt  }
0x61: {  	_ =	shalt  }
0x62: {  	_ =	shalt  }
0x63: {  	_ =	shalt  }
0x64: {  	_ =	shalt  }
0x65: {  	_ =	shalt  }
0x66: {  	_ =	shalt  }
0x67: {  	_ =	shalt  }
0x68: {  	_ =	shalt  }
0x69: {  	_ =	shalt  }
0x6a: {  	_ =	shalt  }
0x6b: {  	_ =	shalt  }
0x6c: {  	_ =	shalt  }
0x6d: {  	_ =	shalt  }
0x6e: {  	_ =	shalt  }
0x6f: {  	_ =	shalt  }
0x70: {  	_ =	shalt  }
0x71: {  	_ =	shalt  }
0x72: {  	_ =	shalt  }
0x73: {  	_ =	shalt  }
0x74: {  	_ =	shalt  }
0x75: {  	_ =	shalt  }
0x76: {  	_ =	shalt  }
0x77: {  	_ =	shalt  }
0x78: {  	_ =	shalt  }
0x79: {  	_ =	shalt  }
0x7a: {  	_ =	shalt  }
0x7b: {  	_ =	shalt  }
0x7c: {  	_ =	shalt  }
0x7d: {  	_ =	shalt  }
0x7e: {  	_ =	shalt  }
0x7f: {  	_ =	shalt  }
0x80: {  	_ =	shalt  }
0x81: {  	_ =	shalt  }
0x82: {  	_ =	shalt  }
0x83: {  	_ =	shalt  }
0x84: {  	_ =	shalt  }
0x85: {  	_ =	shalt  }
0x86: {  	_ =	shalt  }
0x87: {  	_ =	shalt  }
.Lfunc_end0:
.L_simem_size_0:
called_computation.3_lowered:
.L_overlay_start_0:
0x88: {  	s2 =	sld [smem:$0x3FD9]  }
0x89: {  	s3 =	sld [smem:$0x3FFE];
	_ =	sdelay $0x1  }
0x8a: {  	s1 =	srdreg.scid  }
0x8b: {  	s0 =	sand.u32 $0x1, s1  }
0x8c: {  	s16 =	sshll.u32 s0, $0xA;
	s2 =	sadd.s32 s3, s2  }
0x8d: {  	s2 =	sadd.s32 s2, s16  }
0x8e: {  	[smem:$0x3FBD] =	sst s2  }
0x8f: {  	_ = 	snop  }
0x90: {  	(tm) =	ssettm $0x1  }
0x91: {  	s17 =	sld [smem:$0x3FFB];
	_ =	sdelay $0x3  }
0x92: {  	_ =	strace s17  }
0x93: {  	s2 =	sld [smem:$0x3FFC];
	_ =	sdelay $0x3  }
0x94: {  	_ =	strace s2  }
0x95: {  	s2 =	sld [smem:$0x3FFD];
	_ =	sdelay $0x3  }
0x96: {  	_ =	strace s2  }
0x97: {  	_ =	strace $0x8FFFFFFF  }
0x98: {  	s18 =	sld [smem:$0x3FDB];
	_ =	sdelay $0x1  }
0x99: {  	s19 =	simm.s32 $_scs_section_size  }
0x9a: {  	s4 =	simm.s32 $_size__tile_overlayer_lowered;
	s5 =	simm.s32 $_tile_overlayer_lowered  }
0x9b: {  	s22 =	simm.s32 $0x1BFF;
	s21 =	sshll.u32 s5, $0x1;
	s2 =	sadd.s32 s19, s18  }
0x9c: {  	s6 =	simm.s32 $0x0;
	s20 =	sshll.u32 s4, $0x1;
	s4 =	sadd.s32 s21, s2  }
0x9d: {  	[timem:s6], [sflag:s22] =	dma.local [hbm:s4], s20  }
0x9e: {  	_ =	swait.ge [sflag:s22], s20  }
0x9f: {  	s3 =	ssub.s32 $0x0, s20;
	[sflag:s22] =	ssyncset.done $0x0  }
0xa0: {  	[sflag:s22] =	ssyncadd.s32 s3;
	_ =	sdelay $0x1  }
0xa1: {  	s23 =	simm.s32 $0x1B8B  }
0xa2: {  	_ =	swait.ge [sflag:s23], $0x1  }
0xa3: {  	[sflag:s23] =	ssyncset.done $0x0  }
0xa4: {  	s25 =	simm.s32 $0x1B8E;
	s24 =	sld [smem:$0x3FFE];
	[sflag:s23] =	ssyncadd.s32 $0xFFFFFFFF  }
0xa5: {  	s26 =	simm.s32 $execute0_lowered;
	[smem:$0x3FD2] =	sst s25  }
0xa6: {  	s4 =	sshll.u32 s26, $0x1;
	_ =	strace $0x8000004F;
	[dreg:$0x1] =	wrdreg $0xFFFFFFFF  }
0xa7: {  	s28 =	simm.s32 $_size_execute0_lowered;
	s2 =	sadd.s32 s2, s4;
	[dreg:$0x0] =	wrdreg $0x0  }
0xa8: {  	s4 =	sshll.u32 s28, $0x1;
	[dreg:$0x2] =	wrdreg s2  }
0xa9: {  	[dreg:$0x3] =	wrdreg s4  }
0xaa: {  	[dreg:$0x4] =	wrdreg $0xC0  }
0xab: {  	_ =	task [dreg:s6], $0x5FFFF  }
0xac: {  	[dreg:$0x1] =	wrdreg $0xFFFFFFFF  }
0xad: {  	[dreg:$0x0] =	wrdreg $0x60  }
0xae: {  	[dreg:$0x2] =	wrdreg s24  }
0xaf: {  	[dreg:$0x3] =	wrdreg $0x70000  }
0xb0: {  	[dreg:$0x4] =	wrdreg $0x9  }
0xb1: {  	_ =	task.clear_ibuf [dreg:s6], $0x5FFFF;
	_ =	strace $0x9000004F  }
0xb2: {  	s29 =	simm.s32 $0x9;
	_ =	strace $0x80000051  }
0xb3: {  	_ =	swait.ge [sflag:s29], $0x1  }
0xb4: {  	[sflag:s29] =	ssyncadd.s32 $0xFFFFFFFF  }
0xb5: {  	_ =	strace $0x90000051  }
0xb6: {  	_ =	sfence  }
0xb7: {  	s30 =	sld [smem:$0x0];
	_ =	sdelay $0x2  }
0xb8: {  	s31 =	sshll.u32 s1, $0xD;
	s1 =	sshrl.u32 s1, $0x2  }
0xb9: {  	s3 =	sand.u32 $0x4000, s31;
	s1 =	sadd.s32 s1, s30  }
0xba: {  	s0 =	sor.u32 s3, s0;
	s1 =	sshll.u32 s1, $0x11  }
0xbb: {  	s0 =	sor.u32 s1, s0  }
0xbc: {  	s0 =	sadd.s32 $0x8F2B, s0  }
0xbd: {  	[sflag:s0] =	ssyncadd.remote.s32 $0x1  }
0xbe: {  	_ =	sfence.sel $0xFFFF  }
0xbf: {  	[dreg:$0x0] =	wrdreg $0xFFFFFFFF;
	(pc) =	sbr.abs _section_cstart, $3  }
0xc0: {  	[dreg:$0x1] =	wrdreg $0xFFFFFFFF  }
0xc1: {  	_ =	task.clear_ibuf [dreg:s6], $0x2FFFF;
	_ =	strace $0x9FFFFFFF  }
0xc2: {  	(tm) =	ssettm $0x7FFFFFFF  }
0xc3: {  	_ =	shalt  }
tec
execute0_lowered:
.L_overlay_start_1:
0x0: {  	(tag) =	ssettag $0x1  }
0x1: {  	s7 =	rddreg [dreg:$0x0]  }
0x2: {  	s2 =	rddreg [dreg:$0x1]  }
0x3: {  	s0 =	rddreg [dreg:$0x2]  }
0x4: {  	s3 =	simm.s32 $0x0;
	s1 =	stileid.u32;
	s4 =	srdreg.scid  }
0x5: {  	s15 =	simm.s32 $0x50;
	s16 =	simm.s32 $0x2000;
	s17 =	simm.s32 $0x4800  }
0x6: {  	s18 =	simm.s32 $0x1;
	s19 =	simm.s32 $0x2;
	s20 =	simm.s32 $0x1C00  }
0x7: {  	[smem:$0x7FF] =	sst s3;
	s8 =	smul.u32 $0x14000, s1;
	s9 =	sand.u32 $0x1, s4  }
0x8: {  	s4 =	sadd.s32 $0x3D000, s7;
	s5 =	sadd.s32 $0xA1600, s7;
	s6 =	sadd.s32 $0x8D600, s7  }
0x9: {  	s13 =	smul.u32 $0x50000, s1;
	s29 =	sshll.u32 s1, $0x1;
	s31 =	sshll.u32 s1, $0x6  }
0xa: {  	_ =	strace $0x80000050;
	s10 =	smul.u32 $0x140000, s9;
	s28 =	ssub.s32 $0x2, s9  }
0xb: {  	s9 =	sor.u32 s9, s29;
	s11 =	sshrl.u32 s8, $0x3;
	s12 =	sshrl.u32 s28, $0x1  }
0xc: {  	s30 =	sshrl.u32 s13, $0x2;
	s9 =	smul.u32 $0x5000, s9;
	s8 =	sadd.s32 s8, s10  }
0xd: {  	s11 =	sadd.s32 s11, s7;
	s12 =	ssub.s32 s28, s12;
	s8 =	sshrl.u32 s8, $0x3  }
0xe: {  	s13 =	sadd.s32 s30, s2;
	s14 =	sadd.s32 s8, s7;
	s7 =	sadd.s32 $0x15000, s11  }
0xf: {  	s8 =	sor.u32 $0x1C03, s31;
	s11 =	smax.u32 s12, $0x1;
	s12 =	sshrl.u32 s13, $0x3  }
0x10: {  	s13 =	simm.s32 $0x3;
	s10 =	sadd.s32 $0xB5600, s14;
	s14 =	simm.s32 $0x1000  }
.LBB2_1:
0x11: {  	[spmem:s12], [sflag:s8] =	dma.local [hbm:s7], $0x2800  }
0x12: {  	_ =	swait.ge [sflag:s13], $0x2800  }
0x13: {  	[sflag:s13] =	ssyncset.done $0x0  }
0x14: {  	[sflag:s13] =	ssyncadd.s32 $0xFFFFD800  }
0x15: {  	s21 =	simm.s32 $0x0;
	[bflag:$0x0] =	sbarrier.arrive $0xFFFF  }
.LBB2_2:
0x16: {  	s22 =	sshll.u32 s21, $0xC  }
0x17: {  	s22 =	sadd.s32 s9, s22  }
0x18: {  	s22 =	sshrl.u32 s22, $0x3  }
0x19: {  	s24 =	simm.s32 $0x0;
	s23 =	sadd.s32 s5, s22  }
0x1a: {  	[tilespmem:s24], [sflag:$0x3] =	stream.linear.gather [hbm4b:s23+s24], $0xC80, $0x38;
	[tilespmem:$0x1B000] =	vst v63  }
0x1b: {  	_ =	swait.ge [sflag:s13], $0xC80  }
0x1c: {  	[sflag:s13] =	ssyncset.done $0x0  }
0x1d: {  	s22 =	sadd.s32 s6, s22;
	[sflag:s13] =	ssyncadd.s32 $0xFFFFF380  }
0x1e: {  	[tilespmem:s14], [sflag:$0x3] =	stream.linear.gather [hbm4b:s22+s24], $0xC80, $0x38;
	[tilespmem:$0x1B000] =	vst v63  }
0x1f: {  	_ =	swait.ge [sflag:s13], $0xC80  }
0x20: {  	[sflag:s13] =	ssyncset.done $0x0  }
0x21: {  	[sflag:s13] =	ssyncadd.s32 $0xFFFFF380  }
0x22: {  	[tilespmem:s16], [sflag:$0x1] =	stream.indirect.gather [hbm4b:s4+s15], $0x80, s24, s15, $0xb8;
	[tilespmem:$0x1B000] =	vst v63  }
0x23: {  	s28 =	simm.s32 $0x80  }
0x24: {  	[tilespmem:s17], [sflag:$0x2] =	stream.indirect.gather [hbm4b:s4+s15], $0x80, s28, s15, $0xb8;
	[tilespmem:$0x1B000] =	vst v63  }
0x25: {  	_ =	swait.ge [sflag:s18], $0x2800  }
0x26: {  	[sflag:s18] =	ssyncset.done $0x0  }
0x27: {  	s29 =	simm.s32 $0x1000;
	[sflag:s18] =	ssyncadd.s32 $0xFFFFD800  }
0x28: {  	[spmem:s2] =	stream.indirect.scatter.add.f32 [tilespmem:s16], [sflag:$0x3], $0x80, s29, s15, $0xb8;
	[tilespmem:$0x1B000] =	vst v63  }
0x29: {  	_ =	swait.ge [sflag:s13], $0x2800  }
0x2a: {  	[sflag:s13] =	ssyncset.done $0x0  }
0x2b: {  	s30 =	simm.s32 $0x100;
	[sflag:s13] =	ssyncadd.s32 $0xFFFFD800  }
0x2c: {  	[tilespmem:s16], [sflag:$0x1] =	stream.indirect.gather [hbm4b:s4+s15], $0x80, s30, s15, $0xb8;
	[tilespmem:$0x1B000] =	vst v63  }
0x2d: {  	_ =	swait.ge [sflag:s19], $0x2800  }
0x2e: {  	[sflag:s19] =	ssyncset.done $0x0  }
0x2f: {  	s31 =	simm.s32 $0x1080;
	[sflag:s19] =	ssyncadd.s32 $0xFFFFD800  }
0x30: {  	[spmem:s2] =	stream.indirect.scatter.add.f32 [tilespmem:s17], [sflag:$0x3], $0x80, s31, s15, $0xb8;
	[tilespmem:$0x1B000] =	vst v63  }
0x31: {  	_ =	swait.ge [sflag:s13], $0x2800  }
0x32: {  	s23 =	simm.s32 $0x800;
	s22 =	simm.s32 $0x100;
	[sflag:s13] =	ssyncset.done $0x0  }
.LBB2_3:
0x33: {  	s24 =	sadd.s32 $0x80, s22  }
0x34: {  	[sflag:s13] =	ssyncadd.s32 $0xFFFFD800;
	s25 =	smov.u32 s23;
	s26 =	sadd.s32 $0x400, s23  }
0x35: {  	[tilespmem:s17], [sflag:$0x2] =	stream.indirect.gather [hbm4b:s4+s15], $0x80, s24, s15, $0xb8;
	[tilespmem:$0x1B000] =	vst v63  }
0x36: {  	p0 =	sne.s32 s23, $0x2C00;
	_ =	swait.ge [sflag:s18], $0x2800  }
0x37: {  	[sflag:s18] =	ssyncset.done $0x0  }
0x38: {  	s23 =	sadd.s32 $0x1000, s22;
	[sflag:s18] =	ssyncadd.s32 $0xFFFFD800  }
0x39: {  	[spmem:s2] =	stream.indirect.scatter.add.f32 [tilespmem:s16], [sflag:$0x3], $0x80, s23, s15, $0xb8;
	[tilespmem:$0x1B000] =	vst v63  }
0x3a: {  	_ =	swait.ge [sflag:s13], $0x2800  }
0x3b: {  	[sflag:s13] =	ssyncset.done $0x0  }
0x3c: {  	s23 =	sadd.s32 $0x100, s22;
	[sflag:s13] =	ssyncadd.s32 $0xFFFFD800  }
0x3d: {  	[tilespmem:s16], [sflag:$0x1] =	stream.indirect.gather [hbm4b:s4+s15], $0x80, s23, s15, $0xb8;
	[tilespmem:$0x1B000] =	vst v63  }
0x3e: {  	_ =	swait.ge [sflag:s19], $0x2800  }
.Ltmp0:
0x3f: {  	[sflag:s19] =	ssyncset.done $0x0;
	(pc) =	sbr.rel @p0 .LBB2_3-.Ltmp0, $4  }
0x40: {  	s22 =	sadd.s32 $0x1080, s22;
	[sflag:s19] =	ssyncadd.s32 $0xFFFFD800  }
0x41: {  	[spmem:s2] =	stream.indirect.scatter.add.f32 [tilespmem:s17], [sflag:$0x3], $0x80, s22, s15, $0xb8;
	[tilespmem:$0x1B000] =	vst v63  }
0x42: {  	_ =	swait.ge [sflag:s13], $0x2800  }
0x43: {  	s23 =	smov.u32 s26;
	s22 =	sshra.s32 s25, $0x2;
	[sflag:s13] =	ssyncset.done $0x0  }
0x44: {  	s23 =	sadd.s32 $0x80, s22;
	[sflag:s13] =	ssyncadd.s32 $0xFFFFD800  }
0x45: {  	[tilespmem:s17], [sflag:$0x2] =	stream.indirect.gather [hbm4b:s4+s15], $0x80, s23, s15, $0xb8;
	[tilespmem:$0x1B000] =	vst v63  }
0x46: {  	_ =	swait.ge [sflag:s18], $0x2800  }
0x47: {  	[sflag:s18] =	ssyncset.done $0x0  }
0x48: {  	s29 =	sadd.s32 $0x1000, s22;
	[sflag:s18] =	ssyncadd.s32 $0xFFFFD800  }
0x49: {  	[spmem:s2] =	stream.indirect.scatter.add.f32 [tilespmem:s16], [sflag:$0x3], $0x80, s29, s15, $0xb8;
	[tilespmem:$0x1B000] =	vst v63  }
0x4a: {  	_ =	swait.ge [sflag:s13], $0x2800  }
0x4b: {  	[sflag:s13] =	ssyncset.done $0x0  }
0x4c: {  	s30 =	sadd.s32 $0x100, s22;
	[sflag:s13] =	ssyncadd.s32 $0xFFFFD800  }
0x4d: {  	[tilespmem:s16], [sflag:$0x1] =	stream.indirect.gather [hbm4b:s4+s15], $0x80, s30, s15, $0xb8;
	[tilespmem:$0x1B000] =	vst v63  }
0x4e: {  	_ =	swait.ge [sflag:s19], $0x2800  }
0x4f: {  	[sflag:s19] =	ssyncset.done $0x0  }
0x50: {  	s31 =	sadd.s32 $0x1080, s22;
	[sflag:s19] =	ssyncadd.s32 $0xFFFFD800  }
0x51: {  	[spmem:s2] =	stream.indirect.scatter.add.f32 [tilespmem:s17], [sflag:$0x3], $0x80, s31, s15, $0xb8;
	[tilespmem:$0x1B000] =	vst v63  }
0x52: {  	_ =	swait.ge [sflag:s13], $0x2800  }
0x53: {  	[sflag:s13] =	ssyncset.done $0x0  }
0x54: {  	[sflag:s13] =	ssyncadd.s32 $0xFFFFD800  }
0x55: {  	s21 =	sadd.s32 $0x1, s21;
	_ =	swait.ge [sflag:s18], $0x2800  }
0x56: {  	p0 =	sne.s32 s21, $0x5;
	[sflag:s18] =	ssyncset.done $0x0  }
.Ltmp1:
0x57: {  	[sflag:s18] =	ssyncadd.s32 $0xFFFFD800;
	(pc) =	sbr.rel @p0 .LBB2_2-.Ltmp1, $4  }
0x58: {  	[spmem:s2] =	stream.indirect.scatter.add.f32 [tilespmem:s16], [sflag:$0x3], $0x80, s20, s15, $0xb8;
	[tilespmem:$0x1B000] =	vst v63  }
0x59: {  	_ =	swait.ge [sflag:s13], $0x2800  }
0x5a: {  	[sflag:s13] =	ssyncset.done $0x0  }
0x5b: {  	[sflag:s13] =	ssyncadd.s32 $0xFFFFD800  }
0x5c: {  	s3 =	sadd.s32 $0x1, s3  }
0x5d: {  	p0 =	sne.s32 s3, s11  }
.Ltmp2:
0x5e: {  	[bflag:$0x0] =	sbarrier.arrive $0xFFFF;
	(pc) =	sbr.rel @p0 .LBB2_1-.Ltmp2, $4  }
0x5f: {  	[hbm:s10], [sflag:s8] =	dma.local [spmem:s12], $0x2800  }
0x60: {  	_ =	swait.ge [sflag:s13], $0x2800  }
0x61: {  	[sflag:s13] =	ssyncset.done $0x0  }
0x62: {  	[sflag:s13] =	ssyncadd.s32 $0xFFFFD800  }
0x63: {  	_ =	sfence.sel $0x180000  }
0x64: {  	[bflag:$0x0] =	sbarrier.arrive $0xFFFF  }
0x65: {  	p0 =	sne.s32 s1, $0x0;
	_ =	strace $0x90000050  }
0x66: {  	s0 =	sadd.s32 @!p0 $0x100000, s0;
	[bflag:$0x2] =	sbarrier.arrive $0xFFFF  }
0x67: {  	[sflag:s0] =	ssyncadd.tile.s32 @!p0 $0x1;
	_ =	shalt  }
.Lfunc_end2:
_tile_overlayer_lowered:
.L_overlay_start_2:
0x68: {  	(tag) =	ssettag $0x2  }
0x69: {  	s0 =	rddreg [dreg:$0x0];
	s2 =	stileid.u32  }
0x6a: {  	s1 =	rddreg [dreg:$0x1];
	p0 =	sne.s32 s2, $0x0  }
0x6b: {  	s3 =	rddreg [dreg:$0x2];
	[bflag:$0x3] =	sbarrier.arrive $0xFFFF;
	s2 =	simm.s32 @!p0 $0x1C03  }
0x6c: {  	[timem:s3], [sflag:s2] =	dma.local @!p0 [hbm:s0], s1  }
0x6d: {  	s0 =	simm.s32 @!p0 $0x3  }
0x6e: {  	_ =	swait.ge @!p0 [sflag:s0], s1  }
0x6f: {  	s1 =	ssub.s32 @!p0 $0x0, s1;
	[sflag:s0] =	ssyncset.done @!p0 $0x0  }
0x70: {  	[sflag:s0] =	ssyncadd.s32 @!p0 s1  }
0x71: {  	[bflag:$0x3] =	sbarrier.arrive $0xFFFF  }
0x72: {  	_ =	shalt  }

</sc_bundles>
